<compile_context>
chip_gen: v7x
topology: tpu7x:2x2x1
jax: 0.10.2.dev20260603
libtpu: 0.0.44.dev20260713+nightly
codegen_flags: <defaults>
</compile_context>

<pallas_src>
import functools

import jax
import jax.numpy as jnp
from jax import lax
from jax.experimental import pallas as pl
from jax.experimental.pallas import tpu as pltpu
from jax.experimental.pallas import tpu_sc as plsc

N_NODES = 10000
N_EDGES = 160000
D_IN = 256
D_HID = 512
BN_EPS = 1e-5

NUM_CORES = 2
NUM_SUBCORES = 16
CHUNK = 128
NCH = 80
E_PAD = NUM_SUBCORES * NCH * CHUNK
HALF = D_IN // 2
ROWS_PAD = 10112
DUMP_ROW = 10008
ZROWS = ROWS_PAD // NUM_SUBCORES
WROWS = 624
WTAIL = N_NODES - NUM_SUBCORES * WROWS


NBUF = 2
NSTAGE = 2
NCH_STAGE = NCH // NSTAGE


def _sc_agg_body(xlo_hbm, xhi_hbm, src_hbm, dst_hbm, z_hbm,
                 agg_lo_hbm, agg_hi_hbm,
                 src_v, dst_v, r0, r1, agg_sh, s0, s1):
    rows = (r0, r1)
    sems = (s0, s1)
    c = lax.axis_index("c")
    s = lax.axis_index("s")

    pltpu.sync_copy(z_hbm, agg_sh.at[pl.ds(s * ZROWS, ZROWS)])
    plsc.subcore_barrier()

    def process(x_hbm):
        for stage in range(NSTAGE):
            pltpu.sync_copy(src_hbm.at[s, stage], src_v)
            pltpu.sync_copy(dst_hbm.at[s, stage], dst_v)
            for b in range(NBUF):
                pltpu.async_copy(x_hbm.at[src_v.at[b]], rows[b], sems[b])

            def step(i, carry):
                g = i * NBUF
                for b in range(NBUF):
                    j = g + b
                    pltpu.make_async_copy(
                        x_hbm.at[src_v.at[j]], rows[b], sems[b]).wait()
                    pltpu.sync_copy(rows[b], agg_sh.at[dst_v.at[j]],
                                    add=True)

                    @pl.when(j + NBUF < NCH_STAGE)
                    def _():
                        pltpu.async_copy(
                            x_hbm.at[src_v.at[j + NBUF]], rows[b], sems[b])
                return carry
            lax.fori_loop(0, NCH_STAGE // NBUF, step, jnp.int32(0))

    @pl.when(c == 0)
    def _():
        process(xlo_hbm)

    @pl.when(c == 1)
    def _():
        process(xhi_hbm)

    plsc.subcore_barrier()

    @pl.when(c == 0)
    def _():
        pltpu.sync_copy(agg_sh.at[pl.ds(s * WROWS, WROWS)],
                        agg_lo_hbm.at[pl.ds(s * WROWS, WROWS)])

        @pl.when(s == 0)
        def _():
            pltpu.sync_copy(agg_sh.at[pl.ds(NUM_SUBCORES * WROWS, WTAIL)],
                            agg_lo_hbm.at[pl.ds(NUM_SUBCORES * WROWS, WTAIL)])

    @pl.when(c == 1)
    def _():
        pltpu.sync_copy(agg_sh.at[pl.ds(s * WROWS, WROWS)],
                        agg_hi_hbm.at[pl.ds(s * WROWS, WROWS)])

        @pl.when(s == 0)
        def _():
            pltpu.sync_copy(agg_sh.at[pl.ds(NUM_SUBCORES * WROWS, WTAIL)],
                            agg_hi_hbm.at[pl.ds(NUM_SUBCORES * WROWS, WTAIL)])


def _sc_agg(xlo, xhi, src_t, dst_t, z):
    mesh = plsc.VectorSubcoreMesh(core_axis_name="c", subcore_axis_name="s")
    f = functools.partial(
        pl.kernel,
        mesh=mesh,
        out_type=[jax.ShapeDtypeStruct((N_NODES, HALF), jnp.float32),
                  jax.ShapeDtypeStruct((N_NODES, HALF), jnp.float32)],
        scratch_types=[
            pltpu.VMEM((NCH_STAGE, CHUNK), jnp.int32),
            pltpu.VMEM((NCH_STAGE, CHUNK), jnp.int32),
        ] + [pltpu.VMEM((CHUNK, HALF), jnp.float32) for _ in range(NBUF)] + [
            pltpu.VMEM_SHARED((ROWS_PAD, HALF), jnp.float32),
        ] + [pltpu.SemaphoreType.DMA for _ in range(NBUF)],
    )(_sc_agg_body)
    return f(xlo, xhi, src_t, dst_t, z)


ROW_BLK = 1000
GRID = N_NODES // ROW_BLK


def _tc1_body(alo, ahi, xlo, xhi, w1lo, w1hi, b1, eps, m1, s1, ss1):
    i = pl.program_id(0)
    sc = 1.0 + eps[0, 0]
    hlo = alo[...] + sc * xlo[...]
    hhi = ahi[...] + sc * xhi[...]
    m = (jnp.dot(hlo, w1lo[...], preferred_element_type=jnp.float32,
                 precision=lax.Precision.DEFAULT)
         + jnp.dot(hhi, w1hi[...], preferred_element_type=jnp.float32,
                   precision=lax.Precision.DEFAULT)
         + b1[...])
    m1[...] = m

    @pl.when(i == 0)
    def _():
        s1[...] = jnp.zeros_like(s1)
        ss1[...] = jnp.zeros_like(ss1)

    s1[...] += jnp.sum(m, axis=0, keepdims=True)
    ss1[...] += jnp.sum(m * m, axis=0, keepdims=True)


def _tc2_body(m1, s1, ss1, g1, be1, w2, b2, m2, s2, ss2):
    i = pl.program_id(0)
    mean = s1[...] * (1.0 / N_NODES)
    var = ss1[...] * (1.0 / N_NODES) - mean * mean
    scale = lax.rsqrt(var + BN_EPS) * g1[...]
    h = (m1[...] - mean) * scale + be1[...]
    h = jnp.maximum(h, 0.0)
    m = jnp.dot(h, w2[...], preferred_element_type=jnp.float32,
                precision=lax.Precision.DEFAULT) + b2[...]
    m2[...] = m

    @pl.when(i == 0)
    def _():
        s2[...] = jnp.zeros_like(s2)
        ss2[...] = jnp.zeros_like(ss2)

    s2[...] += jnp.sum(m, axis=0, keepdims=True)
    ss2[...] += jnp.sum(m * m, axis=0, keepdims=True)


def _tc3_body(m2, s2, ss2, g2, be2, out):
    mean = s2[...] * (1.0 / N_NODES)
    var = ss2[...] * (1.0 / N_NODES) - mean * mean
    scale = lax.rsqrt(var + BN_EPS) * g2[...]
    h = (m2[...] - mean) * scale + be2[...]
    out[...] = jnp.maximum(h, 0.0)


def _row_spec(w):
    return pl.BlockSpec((ROW_BLK, w), lambda i: (i, 0))


def _const_spec(h, w):
    return pl.BlockSpec((h, w), lambda i: (0, 0))


def kernel(x, edge_index, W1, b1, g1, be1, W2, b2, g2, be2, eps):
    src = edge_index[0].astype(jnp.int32)
    dst = edge_index[1].astype(jnp.int32)
    pad = E_PAD - N_EDGES
    src_t = jnp.concatenate([src, jnp.zeros((pad,), jnp.int32)]
                            ).reshape(NUM_SUBCORES, NSTAGE, NCH_STAGE, CHUNK)
    dst_t = jnp.concatenate([dst, jnp.full((pad,), DUMP_ROW, jnp.int32)]
                            ).reshape(NUM_SUBCORES, NSTAGE, NCH_STAGE, CHUNK)
    xlo = x[:, :HALF]
    xhi = x[:, HALF:]
    z = jnp.zeros((ZROWS, HALF), jnp.float32)

    agg_lo, agg_hi = _sc_agg(xlo, xhi, src_t, dst_t, z)

    eps2 = jnp.reshape(eps, (1, 1))
    b1r = jnp.reshape(b1, (1, D_HID))
    g1r = jnp.reshape(g1, (1, D_HID))
    be1r = jnp.reshape(be1, (1, D_HID))
    b2r = jnp.reshape(b2, (1, D_HID))
    g2r = jnp.reshape(g2, (1, D_HID))
    be2r = jnp.reshape(be2, (1, D_HID))

    m1, s1, ss1 = pl.pallas_call(
        _tc1_body,
        grid=(GRID,),
        in_specs=[_row_spec(HALF), _row_spec(HALF),
                  _row_spec(HALF), _row_spec(HALF),
                  _const_spec(HALF, D_HID), _const_spec(HALF, D_HID),
                  _const_spec(1, D_HID), _const_spec(1, 1)],
        out_specs=[_row_spec(D_HID), _const_spec(1, D_HID),
                   _const_spec(1, D_HID)],
        out_shape=[jax.ShapeDtypeStruct((N_NODES, D_HID), jnp.float32),
                   jax.ShapeDtypeStruct((1, D_HID), jnp.float32),
                   jax.ShapeDtypeStruct((1, D_HID), jnp.float32)],
    )(agg_lo, agg_hi, xlo, xhi, W1[:HALF], W1[HALF:], b1r, eps2)

    m2, s2, ss2 = pl.pallas_call(
        _tc2_body,
        grid=(GRID,),
        in_specs=[_row_spec(D_HID), _const_spec(1, D_HID),
                  _const_spec(1, D_HID), _const_spec(1, D_HID),
                  _const_spec(1, D_HID), _const_spec(D_HID, D_HID),
                  _const_spec(1, D_HID)],
        out_specs=[_row_spec(D_HID), _const_spec(1, D_HID),
                   _const_spec(1, D_HID)],
        out_shape=[jax.ShapeDtypeStruct((N_NODES, D_HID), jnp.float32),
                   jax.ShapeDtypeStruct((1, D_HID), jnp.float32),
                   jax.ShapeDtypeStruct((1, D_HID), jnp.float32)],
    )(m1, s1, ss1, g1r, be1r, W2, b2r)

    out = pl.pallas_call(
        _tc3_body,
        grid=(GRID,),
        in_specs=[_row_spec(D_HID), _const_spec(1, D_HID),
                  _const_spec(1, D_HID), _const_spec(1, D_HID),
                  _const_spec(1, D_HID)],
        out_specs=_row_spec(D_HID),
        out_shape=jax.ShapeDtypeStruct((N_NODES, D_HID), jnp.float32),
    )(m2, s2, ss2, g2r, be2r)

    return out

# --- scband reference (transcript-rebuilt; emitter-appended) ---
"""Pipeline reference for scband-gcnconv-89163521065179 (READ-ONLY COPY).

The authoritative reference and input builder live on the scoring server;
editing this copy changes nothing except your own understanding.
"""

import jax, jax.numpy as jnp
import numpy as np

N_NODES = 10000
N_EDGES = 160000
D_IN = 256
D_HID = 512
BN_EPS = 1e-5


def _batchnorm(h, gamma, beta):
    mean = jnp.mean(h, axis=0, keepdims=True)
    var = jnp.var(h, axis=0, keepdims=True)  # biased variance, matches torch BatchNorm1d training normalization
    return (h - mean) / jnp.sqrt(var + BN_EPS) * gamma + beta


def setup_inputs(seed: int = 0) -> dict:
    key = jax.random.key(seed)
    ks = jax.random.split(key, 10)
    x = jax.random.normal(ks[0], (N_NODES, D_IN), dtype=jnp.float32)
    edge_index = jax.random.randint(ks[1], (2, N_EDGES), 0, N_NODES, dtype=jnp.int64)
    W1 = jax.random.normal(ks[2], (D_IN, D_HID), dtype=jnp.float32) * (1.0 / np.sqrt(D_IN))
    b1 = jnp.zeros((D_HID,), dtype=jnp.float32)
    g1 = jnp.ones((D_HID,), dtype=jnp.float32)
    be1 = jnp.zeros((D_HID,), dtype=jnp.float32)
    W2 = jax.random.normal(ks[3], (D_HID, D_HID), dtype=jnp.float32) * (1.0 / np.sqrt(D_HID))
    b2 = jnp.zeros((D_HID,), dtype=jnp.float32)
    g2 = jnp.ones((D_HID,), dtype=jnp.float32)
    be2 = jnp.zeros((D_HID,), dtype=jnp.float32)
    eps = jnp.zeros((1,), dtype=jnp.float32)
    # Project x to hidden width mismatch? No: update_nn input is layer_dim=256 -> hidden=512.
    return {"x": x, "edge_index": edge_index, "W1": W1, "b1": b1, "g1": g1, "be1": be1,
            "W2": W2, "b2": b2, "g2": g2, "be2": be2, "eps": eps}


def reference(x, edge_index, W1, b1, g1, be1, W2, b2, g2, be2, eps):
    src = edge_index[0]
    dst = edge_index[1]
    x_j = jnp.take(x, src, axis=0)          # messages (msg_nn is identity)
    msg = x_j
    # mp_weight: sum aggregation of messages onto destination nodes (scatter-add)
    agg = jax.ops.segment_sum(msg, dst, num_segments=x.shape[0])
    h = agg + (1.0 + eps) * x
    h = h @ W1 + b1
    h = _batchnorm(h, g1, be1)
    h = jax.nn.relu(h)
    h = h @ W2 + b2
    h = _batchnorm(h, g2, be2)
    h = jax.nn.relu(h)
    return h

if __name__ == "__main__":
    import jax
    _d = setup_inputs()
    print(jax.jit(kernel)(*tuple(_d.values())))

</pallas_src>

<mosaic_0001>
#map = affine_map<(d0, d1) -> (0, 0)>
#map1 = affine_map<(d0, d1) -> (0, 0, 0, 0)>
module attributes {stable_mosaic.version = 14 : i64} {
  func.func @_sc_agg_body(%arg0: i32, %arg1: i32, %arg2: memref<10000x128xf32, #tpu.memory_space<hbm>>, %arg3: memref<10000x128xf32, #tpu.memory_space<hbm>>, %arg4: memref<16x2x40x128xi32, #tpu.memory_space<hbm>>, %arg5: memref<16x2x40x128xi32, #tpu.memory_space<hbm>>, %arg6: memref<632x128xf32, #tpu.memory_space<hbm>>, %arg7: memref<10000x128xf32, #tpu.memory_space<hbm>>, %arg8: memref<10000x128xf32, #tpu.memory_space<hbm>>, %arg9: memref<40x128xi32, #tpu.memory_space<vmem>>, %arg10: memref<40x128xi32, #tpu.memory_space<vmem>>, %arg11: memref<128x128xf32, #tpu.memory_space<vmem>>, %arg12: memref<128x128xf32, #tpu.memory_space<vmem>>, %arg13: memref<10112x128xf32, #tpu.memory_space<vmem_shared>>, %arg14: memref<!tpu.dma_semaphore, #tpu.memory_space<semaphore_mem>>, %arg15: memref<!tpu.dma_semaphore, #tpu.memory_space<semaphore_mem>>) attributes {dimension_semantics = [#tpu.dimension_semantics<core_parallel>, #tpu.dimension_semantics<subcore_parallel>], iteration_bounds = array<i64: 2, 16>, scalar_prefetch = 0 : i64, scratch_operands = 7 : i64, tpu.core_type = #tpu.core_type<sc_vector_subcore>, window_params = [{transform_indices = #map}, {transform_indices = #map}, {transform_indices = #map1}, {transform_indices = #map1}, {transform_indices = #map}, {transform_indices = #map}, {transform_indices = #map}]} {
    %mul3A = arith.constant 632 : i32
    %mul3A_0 = arith.muli %arg1, %mul3A : i32
    "tpu.region"() ({
      %run_scoped3A = tpu.sem_alloc : memref<!tpu.dma_semaphore, #tpu.memory_space<semaphore_mem>>
      %dma_start3A = arith.constant 0 : i32
      %dma_start3A_19 = tpu.memref_slice %arg13[%mul3A_0, %dma_start3A] : memref<10112x128xf32, #tpu.memory_space<vmem_shared>> -> memref<632x128xf32, #tpu.memory_space<vmem_shared>>
      tpu.enqueue_dma source(%arg6 : memref<632x128xf32, #tpu.memory_space<hbm>>) target(%dma_start3A_19 : memref<632x128xf32, #tpu.memory_space<vmem_shared>>) target_semaphore(%run_scoped3A : memref<!tpu.dma_semaphore, #tpu.memory_space<semaphore_mem>>)
      %dma_wait3A = arith.constant 0 : i32
      %dma_wait3A_20 = tpu.memref_slice %arg13[%mul3A_0, %dma_wait3A] : memref<10112x128xf32, #tpu.memory_space<vmem_shared>> -> memref<632x128xf32, #tpu.memory_space<vmem_shared>>
      tpu.wait_dma2 semaphore(%run_scoped3A : memref<!tpu.dma_semaphore, #tpu.memory_space<semaphore_mem>>) src(%arg6 : memref<632x128xf32, #tpu.memory_space<hbm>>) dst(%dma_wait3A_20 : memref<632x128xf32, #tpu.memory_space<vmem_shared>>)
      tpu.yield
    }) : () -> ()
    %barrier3A = arith.constant 0 : index
    tpu.barrier barrier_id(%barrier3A)
    %eq3A = arith.constant 0 : i32
    %eq3A_1 = arith.cmpi eq, %arg0, %eq3A : i32
    %convert_element_type3A = arith.extui %eq3A_1 : i1 to i32
    %cond3A = arith.constant 0 : i32
    %cond3A_2 = arith.cmpi ne, %convert_element_type3A, %cond3A : i32
    scf.if %cond3A_2 {
      %run_scoped3A = arith.constant 0 : i32
      "tpu.region"() ({
        %run_scoped3A_60 = tpu.sem_alloc : memref<!tpu.dma_semaphore, #tpu.memory_space<semaphore_mem>>
        %dma_start3A_61 = arith.constant 0 : i32
        %dma_start3A_62 = arith.constant 0 : i32
        %dma_start3A_63 = tpu.memref_slice %arg4[%arg1, %run_scoped3A, %dma_start3A_61, %dma_start3A_62] : memref<16x2x40x128xi32, #tpu.memory_space<hbm>> -> memref<1x1x40x128xi32, #tpu.memory_space<hbm>>
        %dma_start3A_64 = tpu.memref_squeeze %dma_start3A_63 : memref<1x1x40x128xi32, #tpu.memory_space<hbm>> -> memref<40x128xi32, #tpu.memory_space<hbm>>
        %dma_start3A_65 = arith.constant 0 : i32
        %dma_start3A_66 = arith.constant 0 : i32
        %dma_start3A_67 = tpu.memref_slice %arg4[%arg1, %run_scoped3A, %dma_start3A_65, %dma_start3A_66] : memref<16x2x40x128xi32, #tpu.memory_space<hbm>> -> memref<1x1x40x128xi32, #tpu.memory_space<hbm>>
        %dma_start3A_68 = tpu.memref_squeeze %dma_start3A_67 : memref<1x1x40x128xi32, #tpu.memory_space<hbm>> -> memref<40x128xi32, #tpu.memory_space<hbm>>
        tpu.enqueue_dma source(%dma_start3A_68 : memref<40x128xi32, #tpu.memory_space<hbm>>) target(%arg9 : memref<40x128xi32, #tpu.memory_space<vmem>>) target_semaphore(%run_scoped3A_60 : memref<!tpu.dma_semaphore, #tpu.memory_space<semaphore_mem>>)
        %dma_wait3A = arith.constant 0 : i32
        %dma_wait3A_69 = arith.constant 0 : i32
        %dma_wait3A_70 = tpu.memref_slice %arg4[%arg1, %run_scoped3A, %dma_wait3A, %dma_wait3A_69] : memref<16x2x40x128xi32, #tpu.memory_space<hbm>> -> memref<1x1x40x128xi32, #tpu.memory_space<hbm>>
        %dma_wait3A_71 = tpu.memref_squeeze %dma_wait3A_70 : memref<1x1x40x128xi32, #tpu.memory_space<hbm>> -> memref<40x128xi32, #tpu.memory_space<hbm>>
        %dma_wait3A_72 = arith.constant 0 : i32
        %dma_wait3A_73 = arith.constant 0 : i32
        %dma_wait3A_74 = tpu.memref_slice %arg4[%arg1, %run_scoped3A, %dma_wait3A_72, %dma_wait3A_73] : memref<16x2x40x128xi32, #tpu.memory_space<hbm>> -> memref<1x1x40x128xi32, #tpu.memory_space<hbm>>
        %dma_wait3A_75 = tpu.memref_squeeze %dma_wait3A_74 : memref<1x1x40x128xi32, #tpu.memory_space<hbm>> -> memref<40x128xi32, #tpu.memory_space<hbm>>
        tpu.wait_dma2 semaphore(%run_scoped3A_60 : memref<!tpu.dma_semaphore, #tpu.memory_space<semaphore_mem>>) src(%dma_wait3A_75 : memref<40x128xi32, #tpu.memory_space<hbm>>) dst(%arg9 : memref<40x128xi32, #tpu.memory_space<vmem>>)
        tpu.yield
      }) : () -> ()
      %run_scoped3A_19 = arith.constant 0 : i32
      "tpu.region"() ({
        %run_scoped3A_60 = tpu.sem_alloc : memref<!tpu.dma_semaphore, #tpu.memory_space<semaphore_mem>>
        %dma_start3A_61 = arith.constant 0 : i32
        %dma_start3A_62 = arith.constant 0 : i32
        %dma_start3A_63 = tpu.memref_slice %arg5[%arg1, %run_scoped3A_19, %dma_start3A_61, %dma_start3A_62] : memref<16x2x40x128xi32, #tpu.memory_space<hbm>> -> memref<1x1x40x128xi32, #tpu.memory_space<hbm>>
        %dma_start3A_64 = tpu.memref_squeeze %dma_start3A_63 : memref<1x1x40x128xi32, #tpu.memory_space<hbm>> -> memref<40x128xi32, #tpu.memory_space<hbm>>
        %dma_start3A_65 = arith.constant 0 : i32
        %dma_start3A_66 = arith.constant 0 : i32
        %dma_start3A_67 = tpu.memref_slice %arg5[%arg1, %run_scoped3A_19, %dma_start3A_65, %dma_start3A_66] : memref<16x2x40x128xi32, #tpu.memory_space<hbm>> -> memref<1x1x40x128xi32, #tpu.memory_space<hbm>>
        %dma_start3A_68 = tpu.memref_squeeze %dma_start3A_67 : memref<1x1x40x128xi32, #tpu.memory_space<hbm>> -> memref<40x128xi32, #tpu.memory_space<hbm>>
        tpu.enqueue_dma source(%dma_start3A_68 : memref<40x128xi32, #tpu.memory_space<hbm>>) target(%arg10 : memref<40x128xi32, #tpu.memory_space<vmem>>) target_semaphore(%run_scoped3A_60 : memref<!tpu.dma_semaphore, #tpu.memory_space<semaphore_mem>>)
        %dma_wait3A = arith.constant 0 : i32
        %dma_wait3A_69 = arith.constant 0 : i32
        %dma_wait3A_70 = tpu.memref_slice %arg5[%arg1, %run_scoped3A_19, %dma_wait3A, %dma_wait3A_69] : memref<16x2x40x128xi32, #tpu.memory_space<hbm>> -> memref<1x1x40x128xi32, #tpu.memory_space<hbm>>
        %dma_wait3A_71 = tpu.memref_squeeze %dma_wait3A_70 : memref<1x1x40x128xi32, #tpu.memory_space<hbm>> -> memref<40x128xi32, #tpu.memory_space<hbm>>
        %dma_wait3A_72 = arith.constant 0 : i32
        %dma_wait3A_73 = arith.constant 0 : i32
        %dma_wait3A_74 = tpu.memref_slice %arg5[%arg1, %run_scoped3A_19, %dma_wait3A_72, %dma_wait3A_73] : memref<16x2x40x128xi32, #tpu.memory_space<hbm>> -> memref<1x1x40x128xi32, #tpu.memory_space<hbm>>
        %dma_wait3A_75 = tpu.memref_squeeze %dma_wait3A_74 : memref<1x1x40x128xi32, #tpu.memory_space<hbm>> -> memref<40x128xi32, #tpu.memory_space<hbm>>
        tpu.wait_dma2 semaphore(%run_scoped3A_60 : memref<!tpu.dma_semaphore, #tpu.memory_space<semaphore_mem>>) src(%dma_wait3A_75 : memref<40x128xi32, #tpu.memory_space<hbm>>) dst(%arg10 : memref<40x128xi32, #tpu.memory_space<vmem>>)
        tpu.yield
      }) : () -> ()
      %dma_start3A = arith.constant 0 : i32
      %dma_start3A_20 = arith.constant 0 : i32
      %dma_start3A_21 = tpu.memref_slice %arg9[%dma_start3A, %dma_start3A_20] : memref<40x128xi32, #tpu.memory_space<vmem>> -> memref<1x128xi32, #tpu.memory_space<vmem>>
      %dma_start3A_22 = tpu.memref_squeeze %dma_start3A_21 : memref<1x128xi32, #tpu.memory_space<vmem>> -> memref<128xi32, #tpu.memory_space<vmem>>
      %dma_start3A_23 = arith.constant 0 : i32
      %dma_start3A_24 = arith.constant 0 : i32
      %dma_start3A_25 = tpu.memref_slice %arg2[%dma_start3A_23, %dma_start3A_24] : memref<10000x128xf32, #tpu.memory_space<hbm>> -> memref<10000x128xf32, #tpu.memory_space<hbm>>
      tpu.enqueue_indirect_dma source(%dma_start3A_25 : memref<10000x128xf32, #tpu.memory_space<hbm>>) target(%arg11 : memref<128x128xf32, #tpu.memory_space<vmem>>) offsets(%dma_start3A_22 : memref<128xi32, #tpu.memory_space<vmem>>) semaphore(%arg14 : memref<!tpu.dma_semaphore, #tpu.memory_space<semaphore_mem>>)
      %dma_start3A_26 = arith.constant 1 : i32
      %dma_start3A_27 = arith.constant 0 : i32
      %dma_start3A_28 = tpu.memref_slice %arg9[%dma_start3A_26, %dma_start3A_27] : memref<40x128xi32, #tpu.memory_space<vmem>> -> memref<1x128xi32, #tpu.memory_space<vmem>>
      %dma_start3A_29 = tpu.memref_squeeze %dma_start3A_28 : memref<1x128xi32, #tpu.memory_space<vmem>> -> memref<128xi32, #tpu.memory_space<vmem>>
      %dma_start3A_30 = arith.constant 0 : i32
      %dma_start3A_31 = arith.constant 0 : i32
      %dma_start3A_32 = tpu.memref_slice %arg2[%dma_start3A_30, %dma_start3A_31] : memref<10000x128xf32, #tpu.memory_space<hbm>> -> memref<10000x128xf32, #tpu.memory_space<hbm>>
      tpu.enqueue_indirect_dma source(%dma_start3A_32 : memref<10000x128xf32, #tpu.memory_space<hbm>>) target(%arg12 : memref<128x128xf32, #tpu.memory_space<vmem>>) offsets(%dma_start3A_29 : memref<128xi32, #tpu.memory_space<vmem>>) semaphore(%arg15 : memref<!tpu.dma_semaphore, #tpu.memory_space<semaphore_mem>>)
      %scan3A = arith.constant 0 : i32
      %scan3A_33 = arith.constant 0 : i32
      %scan3A_34 = arith.constant 20 : i32
      %scan3A_35 = arith.addi %scan3A_33, %scan3A_34 : i32
      %scan3A_36 = arith.constant 1 : i32
      scf.for %scan3A_60 = %scan3A_33 to %scan3A_35 step %scan3A_36  : i32 {
        %mul3A_61 = arith.constant 2 : i32
        %mul3A_62 = arith.muli %scan3A_60, %mul3A_61 : i32
        %add3A = arith.constant 0 : i32
        %add3A_63 = arith.addi %mul3A_62, %add3A : i32
        %dma_wait3A = arith.constant 0 : i32
        %dma_wait3A_64 = tpu.memref_slice %arg9[%add3A_63, %dma_wait3A] : memref<40x128xi32, #tpu.memory_space<vmem>> -> memref<1x128xi32, #tpu.memory_space<vmem>>
        %dma_wait3A_65 = tpu.memref_squeeze %dma_wait3A_64 : memref<1x128xi32, #tpu.memory_space<vmem>> -> memref<128xi32, #tpu.memory_space<vmem>>
        %dma_wait3A_66 = arith.constant 0 : i32
        %dma_wait3A_67 = arith.constant 0 : i32
        %dma_wait3A_68 = tpu.memref_slice %arg2[%dma_wait3A_66, %dma_wait3A_67] : memref<10000x128xf32, #tpu.memory_space<hbm>> -> memref<10000x128xf32, #tpu.memory_space<hbm>>
        tpu.wait_indirect_dma semaphore(%arg14 : memref<!tpu.dma_semaphore, #tpu.memory_space<semaphore_mem>>) src(%dma_wait3A_68 : memref<10000x128xf32, #tpu.memory_space<hbm>>) dst(%arg11 : memref<128x128xf32, #tpu.memory_space<vmem>>)
        "tpu.region"() ({
          %run_scoped3A_90 = tpu.sem_alloc : memref<!tpu.dma_semaphore, #tpu.memory_space<semaphore_mem>>
          %dma_start3A_91 = arith.constant 0 : i32
          %dma_start3A_92 = tpu.memref_slice %arg10[%add3A_63, %dma_start3A_91] : memref<40x128xi32, #tpu.memory_space<vmem>> -> memref<1x128xi32, #tpu.memory_space<vmem>>
          %dma_start3A_93 = tpu.memref_squeeze %dma_start3A_92 : memref<1x128xi32, #tpu.memory_space<vmem>> -> memref<128xi32, #tpu.memory_space<vmem>>
          %dma_start3A_94 = arith.constant 0 : i32
          %dma_start3A_95 = arith.constant 0 : i32
          %dma_start3A_96 = tpu.memref_slice %arg13[%dma_start3A_94, %dma_start3A_95] : memref<10112x128xf32, #tpu.memory_space<vmem_shared>> -> memref<10112x128xf32, #tpu.memory_space<vmem_shared>>
          tpu.enqueue_indirect_dma source(%arg11 : memref<128x128xf32, #tpu.memory_space<vmem>>) target(%dma_start3A_96 : memref<10112x128xf32, #tpu.memory_space<vmem_shared>>) offsets(%dma_start3A_93 : memref<128xi32, #tpu.memory_space<vmem>>) semaphore(%run_scoped3A_90 : memref<!tpu.dma_semaphore, #tpu.memory_space<semaphore_mem>>) {add = true}
          %dma_wait3A_97 = arith.constant 0 : i32
          %dma_wait3A_98 = tpu.memref_slice %arg10[%add3A_63, %dma_wait3A_97] : memref<40x128xi32, #tpu.memory_space<vmem>> -> memref<1x128xi32, #tpu.memory_space<vmem>>
          %dma_wait3A_99 = tpu.memref_squeeze %dma_wait3A_98 : memref<1x128xi32, #tpu.memory_space<vmem>> -> memref<128xi32, #tpu.memory_space<vmem>>
          %dma_wait3A_100 = arith.constant 0 : i32
          %dma_wait3A_101 = arith.constant 0 : i32
          %dma_wait3A_102 = tpu.memref_slice %arg13[%dma_wait3A_100, %dma_wait3A_101] : memref<10112x128xf32, #tpu.memory_space<vmem_shared>> -> memref<10112x128xf32, #tpu.memory_space<vmem_shared>>
          tpu.wait_indirect_dma semaphore(%run_scoped3A_90 : memref<!tpu.dma_semaphore, #tpu.memory_space<semaphore_mem>>) src(%arg11 : memref<128x128xf32, #tpu.memory_space<vmem>>) dst(%dma_wait3A_102 : memref<10112x128xf32, #tpu.memory_space<vmem_shared>>)
          tpu.yield
        }) : () -> ()
        %add3A_69 = arith.constant 2 : i32
        %add3A_70 = arith.addi %add3A_63, %add3A_69 : i32
        %lt3A = arith.constant 40 : i32
        %lt3A_71 = arith.cmpi slt, %add3A_70, %lt3A : i32
        %convert_element_type3A_72 = arith.extui %lt3A_71 : i1 to i32
        %cond3A_73 = arith.constant 0 : i32
        %cond3A_74 = arith.cmpi ne, %convert_element_type3A_72, %cond3A_73 : i32
        scf.if %cond3A_74 {
          %add3A_90 = arith.constant 2 : i32
          %add3A_91 = arith.addi %add3A_63, %add3A_90 : i32
          %dma_start3A_92 = arith.constant 0 : i32
          %dma_start3A_93 = tpu.memref_slice %arg9[%add3A_91, %dma_start3A_92] : memref<40x128xi32, #tpu.memory_space<vmem>> -> memref<1x128xi32, #tpu.memory_space<vmem>>
          %dma_start3A_94 = tpu.memref_squeeze %dma_start3A_93 : memref<1x128xi32, #tpu.memory_space<vmem>> -> memref<128xi32, #tpu.memory_space<vmem>>
          %dma_start3A_95 = arith.constant 0 : i32
          %dma_start3A_96 = arith.constant 0 : i32
          %dma_start3A_97 = tpu.memref_slice %arg2[%dma_start3A_95, %dma_start3A_96] : memref<10000x128xf32, #tpu.memory_space<hbm>> -> memref<10000x128xf32, #tpu.memory_space<hbm>>
          tpu.enqueue_indirect_dma source(%dma_start3A_97 : memref<10000x128xf32, #tpu.memory_space<hbm>>) target(%arg11 : memref<128x128xf32, #tpu.memory_space<vmem>>) offsets(%dma_start3A_94 : memref<128xi32, #tpu.memory_space<vmem>>) semaphore(%arg14 : memref<!tpu.dma_semaphore, #tpu.memory_space<semaphore_mem>>)
        } else {
        }
        %add3A_75 = arith.constant 1 : i32
        %add3A_76 = arith.addi %mul3A_62, %add3A_75 : i32
        %dma_wait3A_77 = arith.constant 0 : i32
        %dma_wait3A_78 = tpu.memref_slice %arg9[%add3A_76, %dma_wait3A_77] : memref<40x128xi32, #tpu.memory_space<vmem>> -> memref<1x128xi32, #tpu.memory_space<vmem>>
        %dma_wait3A_79 = tpu.memref_squeeze %dma_wait3A_78 : memref<1x128xi32, #tpu.memory_space<vmem>> -> memref<128xi32, #tpu.memory_space<vmem>>
        %dma_wait3A_80 = arith.constant 0 : i32
        %dma_wait3A_81 = arith.constant 0 : i32
        %dma_wait3A_82 = tpu.memref_slice %arg2[%dma_wait3A_80, %dma_wait3A_81] : memref<10000x128xf32, #tpu.memory_space<hbm>> -> memref<10000x128xf32, #tpu.memory_space<hbm>>
        tpu.wait_indirect_dma semaphore(%arg15 : memref<!tpu.dma_semaphore, #tpu.memory_space<semaphore_mem>>) src(%dma_wait3A_82 : memref<10000x128xf32, #tpu.memory_space<hbm>>) dst(%arg12 : memref<128x128xf32, #tpu.memory_space<vmem>>)
        "tpu.region"() ({
          %run_scoped3A_90 = tpu.sem_alloc : memref<!tpu.dma_semaphore, #tpu.memory_space<semaphore_mem>>
          %dma_start3A_91 = arith.constant 0 : i32
          %dma_start3A_92 = tpu.memref_slice %arg10[%add3A_76, %dma_start3A_91] : memref<40x128xi32, #tpu.memory_space<vmem>> -> memref<1x128xi32, #tpu.memory_space<vmem>>
          %dma_start3A_93 = tpu.memref_squeeze %dma_start3A_92 : memref<1x128xi32, #tpu.memory_space<vmem>> -> memref<128xi32, #tpu.memory_space<vmem>>
          %dma_start3A_94 = arith.constant 0 : i32
          %dma_start3A_95 = arith.constant 0 : i32
          %dma_start3A_96 = tpu.memref_slice %arg13[%dma_start3A_94, %dma_start3A_95] : memref<10112x128xf32, #tpu.memory_space<vmem_shared>> -> memref<10112x128xf32, #tpu.memory_space<vmem_shared>>
          tpu.enqueue_indirect_dma source(%arg12 : memref<128x128xf32, #tpu.memory_space<vmem>>) target(%dma_start3A_96 : memref<10112x128xf32, #tpu.memory_space<vmem_shared>>) offsets(%dma_start3A_93 : memref<128xi32, #tpu.memory_space<vmem>>) semaphore(%run_scoped3A_90 : memref<!tpu.dma_semaphore, #tpu.memory_space<semaphore_mem>>) {add = true}
          %dma_wait3A_97 = arith.constant 0 : i32
          %dma_wait3A_98 = tpu.memref_slice %arg10[%add3A_76, %dma_wait3A_97] : memref<40x128xi32, #tpu.memory_space<vmem>> -> memref<1x128xi32, #tpu.memory_space<vmem>>
          %dma_wait3A_99 = tpu.memref_squeeze %dma_wait3A_98 : memref<1x128xi32, #tpu.memory_space<vmem>> -> memref<128xi32, #tpu.memory_space<vmem>>
          %dma_wait3A_100 = arith.constant 0 : i32
          %dma_wait3A_101 = arith.constant 0 : i32
          %dma_wait3A_102 = tpu.memref_slice %arg13[%dma_wait3A_100, %dma_wait3A_101] : memref<10112x128xf32, #tpu.memory_space<vmem_shared>> -> memref<10112x128xf32, #tpu.memory_space<vmem_shared>>
          tpu.wait_indirect_dma semaphore(%run_scoped3A_90 : memref<!tpu.dma_semaphore, #tpu.memory_space<semaphore_mem>>) src(%arg12 : memref<128x128xf32, #tpu.memory_space<vmem>>) dst(%dma_wait3A_102 : memref<10112x128xf32, #tpu.memory_space<vmem_shared>>)
          tpu.yield
        }) : () -> ()
        %add3A_83 = arith.constant 2 : i32
        %add3A_84 = arith.addi %add3A_76, %add3A_83 : i32
        %lt3A_85 = arith.constant 40 : i32
        %lt3A_86 = arith.cmpi slt, %add3A_84, %lt3A_85 : i32
        %convert_element_type3A_87 = arith.extui %lt3A_86 : i1 to i32
        %cond3A_88 = arith.constant 0 : i32
        %cond3A_89 = arith.cmpi ne, %convert_element_type3A_87, %cond3A_88 : i32
        scf.if %cond3A_89 {
          %add3A_90 = arith.constant 2 : i32
          %add3A_91 = arith.addi %add3A_76, %add3A_90 : i32
          %dma_start3A_92 = arith.constant 0 : i32
          %dma_start3A_93 = tpu.memref_slice %arg9[%add3A_91, %dma_start3A_92] : memref<40x128xi32, #tpu.memory_space<vmem>> -> memref<1x128xi32, #tpu.memory_space<vmem>>
          %dma_start3A_94 = tpu.memref_squeeze %dma_start3A_93 : memref<1x128xi32, #tpu.memory_space<vmem>> -> memref<128xi32, #tpu.memory_space<vmem>>
          %dma_start3A_95 = arith.constant 0 : i32
          %dma_start3A_96 = arith.constant 0 : i32
          %dma_start3A_97 = tpu.memref_slice %arg2[%dma_start3A_95, %dma_start3A_96] : memref<10000x128xf32, #tpu.memory_space<hbm>> -> memref<10000x128xf32, #tpu.memory_space<hbm>>
          tpu.enqueue_indirect_dma source(%dma_start3A_97 : memref<10000x128xf32, #tpu.memory_space<hbm>>) target(%arg12 : memref<128x128xf32, #tpu.memory_space<vmem>>) offsets(%dma_start3A_94 : memref<128xi32, #tpu.memory_space<vmem>>) semaphore(%arg15 : memref<!tpu.dma_semaphore, #tpu.memory_space<semaphore_mem>>)
        } else {
        }
      }
      %scan3A_37 = arith.constant 20 : i32
      %run_scoped3A_38 = arith.constant 1 : i32
      "tpu.region"() ({
        %run_scoped3A_60 = tpu.sem_alloc : memref<!tpu.dma_semaphore, #tpu.memory_space<semaphore_mem>>
        %dma_start3A_61 = arith.constant 0 : i32
        %dma_start3A_62 = arith.constant 0 : i32
        %dma_start3A_63 = tpu.memref_slice %arg4[%arg1, %run_scoped3A_38, %dma_start3A_61, %dma_start3A_62] : memref<16x2x40x128xi32, #tpu.memory_space<hbm>> -> memref<1x1x40x128xi32, #tpu.memory_space<hbm>>
        %dma_start3A_64 = tpu.memref_squeeze %dma_start3A_63 : memref<1x1x40x128xi32, #tpu.memory_space<hbm>> -> memref<40x128xi32, #tpu.memory_space<hbm>>
        %dma_start3A_65 = arith.constant 0 : i32
        %dma_start3A_66 = arith.constant 0 : i32
        %dma_start3A_67 = tpu.memref_slice %arg4[%arg1, %run_scoped3A_38, %dma_start3A_65, %dma_start3A_66] : memref<16x2x40x128xi32, #tpu.memory_space<hbm>> -> memref<1x1x40x128xi32, #tpu.memory_space<hbm>>
        %dma_start3A_68 = tpu.memref_squeeze %dma_start3A_67 : memref<1x1x40x128xi32, #tpu.memory_space<hbm>> -> memref<40x128xi32, #tpu.memory_space<hbm>>
        tpu.enqueue_dma source(%dma_start3A_68 : memref<40x128xi32, #tpu.memory_space<hbm>>) target(%arg9 : memref<40x128xi32, #tpu.memory_space<vmem>>) target_semaphore(%run_scoped3A_60 : memref<!tpu.dma_semaphore, #tpu.memory_space<semaphore_mem>>)
        %dma_wait3A = arith.constant 0 : i32
        %dma_wait3A_69 = arith.constant 0 : i32
        %dma_wait3A_70 = tpu.memref_slice %arg4[%arg1, %run_scoped3A_38, %dma_wait3A, %dma_wait3A_69] : memref<16x2x40x128xi32, #tpu.memory_space<hbm>> -> memref<1x1x40x128xi32, #tpu.memory_space<hbm>>
        %dma_wait3A_71 = tpu.memref_squeeze %dma_wait3A_70 : memref<1x1x40x128xi32, #tpu.memory_space<hbm>> -> memref<40x128xi32, #tpu.memory_space<hbm>>
        %dma_wait3A_72 = arith.constant 0 : i32
        %dma_wait3A_73 = arith.constant 0 : i32
        %dma_wait3A_74 = tpu.memref_slice %arg4[%arg1, %run_scoped3A_38, %dma_wait3A_72, %dma_wait3A_73] : memref<16x2x40x128xi32, #tpu.memory_space<hbm>> -> memref<1x1x40x128xi32, #tpu.memory_space<hbm>>
        %dma_wait3A_75 = tpu.memref_squeeze %dma_wait3A_74 : memref<1x1x40x128xi32, #tpu.memory_space<hbm>> -> memref<40x128xi32, #tpu.memory_space<hbm>>
        tpu.wait_dma2 semaphore(%run_scoped3A_60 : memref<!tpu.dma_semaphore, #tpu.memory_space<semaphore_mem>>) src(%dma_wait3A_75 : memref<40x128xi32, #tpu.memory_space<hbm>>) dst(%arg9 : memref<40x128xi32, #tpu.memory_space<vmem>>)
        tpu.yield
      }) : () -> ()
      %run_scoped3A_39 = arith.constant 1 : i32
      "tpu.region"() ({
        %run_scoped3A_60 = tpu.sem_alloc : memref<!tpu.dma_semaphore, #tpu.memory_space<semaphore_mem>>
        %dma_start3A_61 = arith.constant 0 : i32
        %dma_start3A_62 = arith.constant 0 : i32
        %dma_start3A_63 = tpu.memref_slice %arg5[%arg1, %run_scoped3A_39, %dma_start3A_61, %dma_start3A_62] : memref<16x2x40x128xi32, #tpu.memory_space<hbm>> -> memref<1x1x40x128xi32, #tpu.memory_space<hbm>>
        %dma_start3A_64 = tpu.memref_squeeze %dma_start3A_63 : memref<1x1x40x128xi32, #tpu.memory_space<hbm>> -> memref<40x128xi32, #tpu.memory_space<hbm>>
        %dma_start3A_65 = arith.constant 0 : i32
        %dma_start3A_66 = arith.constant 0 : i32
        %dma_start3A_67 = tpu.memref_slice %arg5[%arg1, %run_scoped3A_39, %dma_start3A_65, %dma_start3A_66] : memref<16x2x40x128xi32, #tpu.memory_space<hbm>> -> memref<1x1x40x128xi32, #tpu.memory_space<hbm>>
        %dma_start3A_68 = tpu.memref_squeeze %dma_start3A_67 : memref<1x1x40x128xi32, #tpu.memory_space<hbm>> -> memref<40x128xi32, #tpu.memory_space<hbm>>
        tpu.enqueue_dma source(%dma_start3A_68 : memref<40x128xi32, #tpu.memory_space<hbm>>) target(%arg10 : memref<40x128xi32, #tpu.memory_space<vmem>>) target_semaphore(%run_scoped3A_60 : memref<!tpu.dma_semaphore, #tpu.memory_space<semaphore_mem>>)
        %dma_wait3A = arith.constant 0 : i32
        %dma_wait3A_69 = arith.constant 0 : i32
        %dma_wait3A_70 = tpu.memref_slice %arg5[%arg1, %run_scoped3A_39, %dma_wait3A, %dma_wait3A_69] : memref<16x2x40x128xi32, #tpu.memory_space<hbm>> -> memref<1x1x40x128xi32, #tpu.memory_space<hbm>>
        %dma_wait3A_71 = tpu.memref_squeeze %dma_wait3A_70 : memref<1x1x40x128xi32, #tpu.memory_space<hbm>> -> memref<40x128xi32, #tpu.memory_space<hbm>>
        %dma_wait3A_72 = arith.constant 0 : i32
        %dma_wait3A_73 = arith.constant 0 : i32
        %dma_wait3A_74 = tpu.memref_slice %arg5[%arg1, %run_scoped3A_39, %dma_wait3A_72, %dma_wait3A_73] : memref<16x2x40x128xi32, #tpu.memory_space<hbm>> -> memref<1x1x40x128xi32, #tpu.memory_space<hbm>>
        %dma_wait3A_75 = tpu.memref_squeeze %dma_wait3A_74 : memref<1x1x40x128xi32, #tpu.memory_space<hbm>> -> memref<40x128xi32, #tpu.memory_space<hbm>>
        tpu.wait_dma2 semaphore(%run_scoped3A_60 : memref<!tpu.dma_semaphore, #tpu.memory_space<semaphore_mem>>) src(%dma_wait3A_75 : memref<40x128xi32, #tpu.memory_space<hbm>>) dst(%arg10 : memref<40x128xi32, #tpu.memory_space<vmem>>)
        tpu.yield
      }) : () -> ()
      %dma_start3A_40 = arith.constant 0 : i32
      %dma_start3A_41 = arith.constant 0 : i32
      %dma_start3A_42 = tpu.memref_slice %arg9[%dma_start3A_40, %dma_start3A_41] : memref<40x128xi32, #tpu.memory_space<vmem>> -> memref<1x128xi32, #tpu.memory_space<vmem>>
      %dma_start3A_43 = tpu.memref_squeeze %dma_start3A_42 : memref<1x128xi32, #tpu.memory_space<vmem>> -> memref<128xi32, #tpu.memory_space<vmem>>
      %dma_start3A_44 = arith.constant 0 : i32
      %dma_start3A_45 = arith.constant 0 : i32
      %dma_start3A_46 = tpu.memref_slice %arg2[%dma_start3A_44, %dma_start3A_45] : memref<10000x128xf32, #tpu.memory_space<hbm>> -> memref<10000x128xf32, #tpu.memory_space<hbm>>
      tpu.enqueue_indirect_dma source(%dma_start3A_46 : memref<10000x128xf32, #tpu.memory_space<hbm>>) target(%arg11 : memref<128x128xf32, #tpu.memory_space<vmem>>) offsets(%dma_start3A_43 : memref<128xi32, #tpu.memory_space<vmem>>) semaphore(%arg14 : memref<!tpu.dma_semaphore, #tpu.memory_space<semaphore_mem>>)
      %dma_start3A_47 = arith.constant 1 : i32
      %dma_start3A_48 = arith.constant 0 : i32
      %dma_start3A_49 = tpu.memref_slice %arg9[%dma_start3A_47, %dma_start3A_48] : memref<40x128xi32, #tpu.memory_space<vmem>> -> memref<1x128xi32, #tpu.memory_space<vmem>>
      %dma_start3A_50 = tpu.memref_squeeze %dma_start3A_49 : memref<1x128xi32, #tpu.memory_space<vmem>> -> memref<128xi32, #tpu.memory_space<vmem>>
      %dma_start3A_51 = arith.constant 0 : i32
      %dma_start3A_52 = arith.constant 0 : i32
      %dma_start3A_53 = tpu.memref_slice %arg2[%dma_start3A_51, %dma_start3A_52] : memref<10000x128xf32, #tpu.memory_space<hbm>> -> memref<10000x128xf32, #tpu.memory_space<hbm>>
      tpu.enqueue_indirect_dma source(%dma_start3A_53 : memref<10000x128xf32, #tpu.memory_space<hbm>>) target(%arg12 : memref<128x128xf32, #tpu.memory_space<vmem>>) offsets(%dma_start3A_50 : memref<128xi32, #tpu.memory_space<vmem>>) semaphore(%arg15 : memref<!tpu.dma_semaphore, #tpu.memory_space<semaphore_mem>>)
      %scan3A_54 = arith.constant 0 : i32
      %scan3A_55 = arith.constant 0 : i32
      %scan3A_56 = arith.constant 20 : i32
      %scan3A_57 = arith.addi %scan3A_55, %scan3A_56 : i32
      %scan3A_58 = arith.constant 1 : i32
      scf.for %scan3A_60 = %scan3A_55 to %scan3A_57 step %scan3A_58  : i32 {
        %mul3A_61 = arith.constant 2 : i32
        %mul3A_62 = arith.muli %scan3A_60, %mul3A_61 : i32
        %add3A = arith.constant 0 : i32
        %add3A_63 = arith.addi %mul3A_62, %add3A : i32
        %dma_wait3A = arith.constant 0 : i32
        %dma_wait3A_64 = tpu.memref_slice %arg9[%add3A_63, %dma_wait3A] : memref<40x128xi32, #tpu.memory_space<vmem>> -> memref<1x128xi32, #tpu.memory_space<vmem>>
        %dma_wait3A_65 = tpu.memref_squeeze %dma_wait3A_64 : memref<1x128xi32, #tpu.memory_space<vmem>> -> memref<128xi32, #tpu.memory_space<vmem>>
        %dma_wait3A_66 = arith.constant 0 : i32
        %dma_wait3A_67 = arith.constant 0 : i32
        %dma_wait3A_68 = tpu.memref_slice %arg2[%dma_wait3A_66, %dma_wait3A_67] : memref<10000x128xf32, #tpu.memory_space<hbm>> -> memref<10000x128xf32, #tpu.memory_space<hbm>>
        tpu.wait_indirect_dma semaphore(%arg14 : memref<!tpu.dma_semaphore, #tpu.memory_space<semaphore_mem>>) src(%dma_wait3A_68 : memref<10000x128xf32, #tpu.memory_space<hbm>>) dst(%arg11 : memref<128x128xf32, #tpu.memory_space<vmem>>)
        "tpu.region"() ({
          %run_scoped3A_90 = tpu.sem_alloc : memref<!tpu.dma_semaphore, #tpu.memory_space<semaphore_mem>>
          %dma_start3A_91 = arith.constant 0 : i32
          %dma_start3A_92 = tpu.memref_slice %arg10[%add3A_63, %dma_start3A_91] : memref<40x128xi32, #tpu.memory_space<vmem>> -> memref<1x128xi32, #tpu.memory_space<vmem>>
          %dma_start3A_93 = tpu.memref_squeeze %dma_start3A_92 : memref<1x128xi32, #tpu.memory_space<vmem>> -> memref<128xi32, #tpu.memory_space<vmem>>
          %dma_start3A_94 = arith.constant 0 : i32
          %dma_start3A_95 = arith.constant 0 : i32
          %dma_start3A_96 = tpu.memref_slice %arg13[%dma_start3A_94, %dma_start3A_95] : memref<10112x128xf32, #tpu.memory_space<vmem_shared>> -> memref<10112x128xf32, #tpu.memory_space<vmem_shared>>
          tpu.enqueue_indirect_dma source(%arg11 : memref<128x128xf32, #tpu.memory_space<vmem>>) target(%dma_start3A_96 : memref<10112x128xf32, #tpu.memory_space<vmem_shared>>) offsets(%dma_start3A_93 : memref<128xi32, #tpu.memory_space<vmem>>) semaphore(%run_scoped3A_90 : memref<!tpu.dma_semaphore, #tpu.memory_space<semaphore_mem>>) {add = true}
          %dma_wait3A_97 = arith.constant 0 : i32
          %dma_wait3A_98 = tpu.memref_slice %arg10[%add3A_63, %dma_wait3A_97] : memref<40x128xi32, #tpu.memory_space<vmem>> -> memref<1x128xi32, #tpu.memory_space<vmem>>
          %dma_wait3A_99 = tpu.memref_squeeze %dma_wait3A_98 : memref<1x128xi32, #tpu.memory_space<vmem>> -> memref<128xi32, #tpu.memory_space<vmem>>
          %dma_wait3A_100 = arith.constant 0 : i32
          %dma_wait3A_101 = arith.constant 0 : i32
          %dma_wait3A_102 = tpu.memref_slice %arg13[%dma_wait3A_100, %dma_wait3A_101] : memref<10112x128xf32, #tpu.memory_space<vmem_shared>> -> memref<10112x128xf32, #tpu.memory_space<vmem_shared>>
          tpu.wait_indirect_dma semaphore(%run_scoped3A_90 : memref<!tpu.dma_semaphore, #tpu.memory_space<semaphore_mem>>) src(%arg11 : memref<128x128xf32, #tpu.memory_space<vmem>>) dst(%dma_wait3A_102 : memref<10112x128xf32, #tpu.memory_space<vmem_shared>>)
          tpu.yield
        }) : () -> ()
        %add3A_69 = arith.constant 2 : i32
        %add3A_70 = arith.addi %add3A_63, %add3A_69 : i32
        %lt3A = arith.constant 40 : i32
        %lt3A_71 = arith.cmpi slt, %add3A_70, %lt3A : i32
        %convert_element_type3A_72 = arith.extui %lt3A_71 : i1 to i32
        %cond3A_73 = arith.constant 0 : i32
        %cond3A_74 = arith.cmpi ne, %convert_element_type3A_72, %cond3A_73 : i32
        scf.if %cond3A_74 {
          %add3A_90 = arith.constant 2 : i32
          %add3A_91 = arith.addi %add3A_63, %add3A_90 : i32
          %dma_start3A_92 = arith.constant 0 : i32
          %dma_start3A_93 = tpu.memref_slice %arg9[%add3A_91, %dma_start3A_92] : memref<40x128xi32, #tpu.memory_space<vmem>> -> memref<1x128xi32, #tpu.memory_space<vmem>>
          %dma_start3A_94 = tpu.memref_squeeze %dma_start3A_93 : memref<1x128xi32, #tpu.memory_space<vmem>> -> memref<128xi32, #tpu.memory_space<vmem>>
          %dma_start3A_95 = arith.constant 0 : i32
          %dma_start3A_96 = arith.constant 0 : i32
          %dma_start3A_97 = tpu.memref_slice %arg2[%dma_start3A_95, %dma_start3A_96] : memref<10000x128xf32, #tpu.memory_space<hbm>> -> memref<10000x128xf32, #tpu.memory_space<hbm>>
          tpu.enqueue_indirect_dma source(%dma_start3A_97 : memref<10000x128xf32, #tpu.memory_space<hbm>>) target(%arg11 : memref<128x128xf32, #tpu.memory_space<vmem>>) offsets(%dma_start3A_94 : memref<128xi32, #tpu.memory_space<vmem>>) semaphore(%arg14 : memref<!tpu.dma_semaphore, #tpu.memory_space<semaphore_mem>>)
        } else {
        }
        %add3A_75 = arith.constant 1 : i32
        %add3A_76 = arith.addi %mul3A_62, %add3A_75 : i32
        %dma_wait3A_77 = arith.constant 0 : i32
        %dma_wait3A_78 = tpu.memref_slice %arg9[%add3A_76, %dma_wait3A_77] : memref<40x128xi32, #tpu.memory_space<vmem>> -> memref<1x128xi32, #tpu.memory_space<vmem>>
        %dma_wait3A_79 = tpu.memref_squeeze %dma_wait3A_78 : memref<1x128xi32, #tpu.memory_space<vmem>> -> memref<128xi32, #tpu.memory_space<vmem>>
        %dma_wait3A_80 = arith.constant 0 : i32
        %dma_wait3A_81 = arith.constant 0 : i32
        %dma_wait3A_82 = tpu.memref_slice %arg2[%dma_wait3A_80, %dma_wait3A_81] : memref<10000x128xf32, #tpu.memory_space<hbm>> -> memref<10000x128xf32, #tpu.memory_space<hbm>>
        tpu.wait_indirect_dma semaphore(%arg15 : memref<!tpu.dma_semaphore, #tpu.memory_space<semaphore_mem>>) src(%dma_wait3A_82 : memref<10000x128xf32, #tpu.memory_space<hbm>>) dst(%arg12 : memref<128x128xf32, #tpu.memory_space<vmem>>)
        "tpu.region"() ({
          %run_scoped3A_90 = tpu.sem_alloc : memref<!tpu.dma_semaphore, #tpu.memory_space<semaphore_mem>>
          %dma_start3A_91 = arith.constant 0 : i32
          %dma_start3A_92 = tpu.memref_slice %arg10[%add3A_76, %dma_start3A_91] : memref<40x128xi32, #tpu.memory_space<vmem>> -> memref<1x128xi32, #tpu.memory_space<vmem>>
          %dma_start3A_93 = tpu.memref_squeeze %dma_start3A_92 : memref<1x128xi32, #tpu.memory_space<vmem>> -> memref<128xi32, #tpu.memory_space<vmem>>
          %dma_start3A_94 = arith.constant 0 : i32
          %dma_start3A_95 = arith.constant 0 : i32
          %dma_start3A_96 = tpu.memref_slice %arg13[%dma_start3A_94, %dma_start3A_95] : memref<10112x128xf32, #tpu.memory_space<vmem_shared>> -> memref<10112x128xf32, #tpu.memory_space<vmem_shared>>
          tpu.enqueue_indirect_dma source(%arg12 : memref<128x128xf32, #tpu.memory_space<vmem>>) target(%dma_start3A_96 : memref<10112x128xf32, #tpu.memory_space<vmem_shared>>) offsets(%dma_start3A_93 : memref<128xi32, #tpu.memory_space<vmem>>) semaphore(%run_scoped3A_90 : memref<!tpu.dma_semaphore, #tpu.memory_space<semaphore_mem>>) {add = true}
          %dma_wait3A_97 = arith.constant 0 : i32
          %dma_wait3A_98 = tpu.memref_slice %arg10[%add3A_76, %dma_wait3A_97] : memref<40x128xi32, #tpu.memory_space<vmem>> -> memref<1x128xi32, #tpu.memory_space<vmem>>
          %dma_wait3A_99 = tpu.memref_squeeze %dma_wait3A_98 : memref<1x128xi32, #tpu.memory_space<vmem>> -> memref<128xi32, #tpu.memory_space<vmem>>
          %dma_wait3A_100 = arith.constant 0 : i32
          %dma_wait3A_101 = arith.constant 0 : i32
          %dma_wait3A_102 = tpu.memref_slice %arg13[%dma_wait3A_100, %dma_wait3A_101] : memref<10112x128xf32, #tpu.memory_space<vmem_shared>> -> memref<10112x128xf32, #tpu.memory_space<vmem_shared>>
          tpu.wait_indirect_dma semaphore(%run_scoped3A_90 : memref<!tpu.dma_semaphore, #tpu.memory_space<semaphore_mem>>) src(%arg12 : memref<128x128xf32, #tpu.memory_space<vmem>>) dst(%dma_wait3A_102 : memref<10112x128xf32, #tpu.memory_space<vmem_shared>>)
          tpu.yield
        }) : () -> ()
        %add3A_83 = arith.constant 2 : i32
        %add3A_84 = arith.addi %add3A_76, %add3A_83 : i32
        %lt3A_85 = arith.constant 40 : i32
        %lt3A_86 = arith.cmpi slt, %add3A_84, %lt3A_85 : i32
        %convert_element_type3A_87 = arith.extui %lt3A_86 : i1 to i32
        %cond3A_88 = arith.constant 0 : i32
        %cond3A_89 = arith.cmpi ne, %convert_element_type3A_87, %cond3A_88 : i32
        scf.if %cond3A_89 {
          %add3A_90 = arith.constant 2 : i32
          %add3A_91 = arith.addi %add3A_76, %add3A_90 : i32
          %dma_start3A_92 = arith.constant 0 : i32
          %dma_start3A_93 = tpu.memref_slice %arg9[%add3A_91, %dma_start3A_92] : memref<40x128xi32, #tpu.memory_space<vmem>> -> memref<1x128xi32, #tpu.memory_space<vmem>>
          %dma_start3A_94 = tpu.memref_squeeze %dma_start3A_93 : memref<1x128xi32, #tpu.memory_space<vmem>> -> memref<128xi32, #tpu.memory_space<vmem>>
          %dma_start3A_95 = arith.constant 0 : i32
          %dma_start3A_96 = arith.constant 0 : i32
          %dma_start3A_97 = tpu.memref_slice %arg2[%dma_start3A_95, %dma_start3A_96] : memref<10000x128xf32, #tpu.memory_space<hbm>> -> memref<10000x128xf32, #tpu.memory_space<hbm>>
          tpu.enqueue_indirect_dma source(%dma_start3A_97 : memref<10000x128xf32, #tpu.memory_space<hbm>>) target(%arg12 : memref<128x128xf32, #tpu.memory_space<vmem>>) offsets(%dma_start3A_94 : memref<128xi32, #tpu.memory_space<vmem>>) semaphore(%arg15 : memref<!tpu.dma_semaphore, #tpu.memory_space<semaphore_mem>>)
        } else {
        }
      }
      %scan3A_59 = arith.constant 20 : i32
    } else {
    }
    %eq3A_3 = arith.constant 1 : i32
    %eq3A_4 = arith.cmpi eq, %arg0, %eq3A_3 : i32
    %convert_element_type3A_5 = arith.extui %eq3A_4 : i1 to i32
    %cond3A_6 = arith.constant 0 : i32
    %cond3A_7 = arith.cmpi ne, %convert_element_type3A_5, %cond3A_6 : i32
    scf.if %cond3A_7 {
      %run_scoped3A = arith.constant 0 : i32
      "tpu.region"() ({
        %run_scoped3A_60 = tpu.sem_alloc : memref<!tpu.dma_semaphore, #tpu.memory_space<semaphore_mem>>
        %dma_start3A_61 = arith.constant 0 : i32
        %dma_start3A_62 = arith.constant 0 : i32
        %dma_start3A_63 = tpu.memref_slice %arg4[%arg1, %run_scoped3A, %dma_start3A_61, %dma_start3A_62] : memref<16x2x40x128xi32, #tpu.memory_space<hbm>> -> memref<1x1x40x128xi32, #tpu.memory_space<hbm>>
        %dma_start3A_64 = tpu.memref_squeeze %dma_start3A_63 : memref<1x1x40x128xi32, #tpu.memory_space<hbm>> -> memref<40x128xi32, #tpu.memory_space<hbm>>
        %dma_start3A_65 = arith.constant 0 : i32
        %dma_start3A_66 = arith.constant 0 : i32
        %dma_start3A_67 = tpu.memref_slice %arg4[%arg1, %run_scoped3A, %dma_start3A_65, %dma_start3A_66] : memref<16x2x40x128xi32, #tpu.memory_space<hbm>> -> memref<1x1x40x128xi32, #tpu.memory_space<hbm>>
        %dma_start3A_68 = tpu.memref_squeeze %dma_start3A_67 : memref<1x1x40x128xi32, #tpu.memory_space<hbm>> -> memref<40x128xi32, #tpu.memory_space<hbm>>
        tpu.enqueue_dma source(%dma_start3A_68 : memref<40x128xi32, #tpu.memory_space<hbm>>) target(%arg9 : memref<40x128xi32, #tpu.memory_space<vmem>>) target_semaphore(%run_scoped3A_60 : memref<!tpu.dma_semaphore, #tpu.memory_space<semaphore_mem>>)
        %dma_wait3A = arith.constant 0 : i32
        %dma_wait3A_69 = arith.constant 0 : i32
        %dma_wait3A_70 = tpu.memref_slice %arg4[%arg1, %run_scoped3A, %dma_wait3A, %dma_wait3A_69] : memref<16x2x40x128xi32, #tpu.memory_space<hbm>> -> memref<1x1x40x128xi32, #tpu.memory_space<hbm>>
        %dma_wait3A_71 = tpu.memref_squeeze %dma_wait3A_70 : memref<1x1x40x128xi32, #tpu.memory_space<hbm>> -> memref<40x128xi32, #tpu.memory_space<hbm>>
        %dma_wait3A_72 = arith.constant 0 : i32
        %dma_wait3A_73 = arith.constant 0 : i32
        %dma_wait3A_74 = tpu.memref_slice %arg4[%arg1, %run_scoped3A, %dma_wait3A_72, %dma_wait3A_73] : memref<16x2x40x128xi32, #tpu.memory_space<hbm>> -> memref<1x1x40x128xi32, #tpu.memory_space<hbm>>
        %dma_wait3A_75 = tpu.memref_squeeze %dma_wait3A_74 : memref<1x1x40x128xi32, #tpu.memory_space<hbm>> -> memref<40x128xi32, #tpu.memory_space<hbm>>
        tpu.wait_dma2 semaphore(%run_scoped3A_60 : memref<!tpu.dma_semaphore, #tpu.memory_space<semaphore_mem>>) src(%dma_wait3A_75 : memref<40x128xi32, #tpu.memory_space<hbm>>) dst(%arg9 : memref<40x128xi32, #tpu.memory_space<vmem>>)
        tpu.yield
      }) : () -> ()
      %run_scoped3A_19 = arith.constant 0 : i32
      "tpu.region"() ({
        %run_scoped3A_60 = tpu.sem_alloc : memref<!tpu.dma_semaphore, #tpu.memory_space<semaphore_mem>>
        %dma_start3A_61 = arith.constant 0 : i32
        %dma_start3A_62 = arith.constant 0 : i32
        %dma_start3A_63 = tpu.memref_slice %arg5[%arg1, %run_scoped3A_19, %dma_start3A_61, %dma_start3A_62] : memref<16x2x40x128xi32, #tpu.memory_space<hbm>> -> memref<1x1x40x128xi32, #tpu.memory_space<hbm>>
        %dma_start3A_64 = tpu.memref_squeeze %dma_start3A_63 : memref<1x1x40x128xi32, #tpu.memory_space<hbm>> -> memref<40x128xi32, #tpu.memory_space<hbm>>
        %dma_start3A_65 = arith.constant 0 : i32
        %dma_start3A_66 = arith.constant 0 : i32
        %dma_start3A_67 = tpu.memref_slice %arg5[%arg1, %run_scoped3A_19, %dma_start3A_65, %dma_start3A_66] : memref<16x2x40x128xi32, #tpu.memory_space<hbm>> -> memref<1x1x40x128xi32, #tpu.memory_space<hbm>>
        %dma_start3A_68 = tpu.memref_squeeze %dma_start3A_67 : memref<1x1x40x128xi32, #tpu.memory_space<hbm>> -> memref<40x128xi32, #tpu.memory_space<hbm>>
        tpu.enqueue_dma source(%dma_start3A_68 : memref<40x128xi32, #tpu.memory_space<hbm>>) target(%arg10 : memref<40x128xi32, #tpu.memory_space<vmem>>) target_semaphore(%run_scoped3A_60 : memref<!tpu.dma_semaphore, #tpu.memory_space<semaphore_mem>>)
        %dma_wait3A = arith.constant 0 : i32
        %dma_wait3A_69 = arith.constant 0 : i32
        %dma_wait3A_70 = tpu.memref_slice %arg5[%arg1, %run_scoped3A_19, %dma_wait3A, %dma_wait3A_69] : memref<16x2x40x128xi32, #tpu.memory_space<hbm>> -> memref<1x1x40x128xi32, #tpu.memory_space<hbm>>
        %dma_wait3A_71 = tpu.memref_squeeze %dma_wait3A_70 : memref<1x1x40x128xi32, #tpu.memory_space<hbm>> -> memref<40x128xi32, #tpu.memory_space<hbm>>
        %dma_wait3A_72 = arith.constant 0 : i32
        %dma_wait3A_73 = arith.constant 0 : i32
        %dma_wait3A_74 = tpu.memref_slice %arg5[%arg1, %run_scoped3A_19, %dma_wait3A_72, %dma_wait3A_73] : memref<16x2x40x128xi32, #tpu.memory_space<hbm>> -> memref<1x1x40x128xi32, #tpu.memory_space<hbm>>
        %dma_wait3A_75 = tpu.memref_squeeze %dma_wait3A_74 : memref<1x1x40x128xi32, #tpu.memory_space<hbm>> -> memref<40x128xi32, #tpu.memory_space<hbm>>
        tpu.wait_dma2 semaphore(%run_scoped3A_60 : memref<!tpu.dma_semaphore, #tpu.memory_space<semaphore_mem>>) src(%dma_wait3A_75 : memref<40x128xi32, #tpu.memory_space<hbm>>) dst(%arg10 : memref<40x128xi32, #tpu.memory_space<vmem>>)
        tpu.yield
      }) : () -> ()
      %dma_start3A = arith.constant 0 : i32
      %dma_start3A_20 = arith.constant 0 : i32
      %dma_start3A_21 = tpu.memref_slice %arg9[%dma_start3A, %dma_start3A_20] : memref<40x128xi32, #tpu.memory_space<vmem>> -> memref<1x128xi32, #tpu.memory_space<vmem>>
      %dma_start3A_22 = tpu.memref_squeeze %dma_start3A_21 : memref<1x128xi32, #tpu.memory_space<vmem>> -> memref<128xi32, #tpu.memory_space<vmem>>
      %dma_start3A_23 = arith.constant 0 : i32
      %dma_start3A_24 = arith.constant 0 : i32
      %dma_start3A_25 = tpu.memref_slice %arg3[%dma_start3A_23, %dma_start3A_24] : memref<10000x128xf32, #tpu.memory_space<hbm>> -> memref<10000x128xf32, #tpu.memory_space<hbm>>
      tpu.enqueue_indirect_dma source(%dma_start3A_25 : memref<10000x128xf32, #tpu.memory_space<hbm>>) target(%arg11 : memref<128x128xf32, #tpu.memory_space<vmem>>) offsets(%dma_start3A_22 : memref<128xi32, #tpu.memory_space<vmem>>) semaphore(%arg14 : memref<!tpu.dma_semaphore, #tpu.memory_space<semaphore_mem>>)
      %dma_start3A_26 = arith.constant 1 : i32
      %dma_start3A_27 = arith.constant 0 : i32
      %dma_start3A_28 = tpu.memref_slice %arg9[%dma_start3A_26, %dma_start3A_27] : memref<40x128xi32, #tpu.memory_space<vmem>> -> memref<1x128xi32, #tpu.memory_space<vmem>>
      %dma_start3A_29 = tpu.memref_squeeze %dma_start3A_28 : memref<1x128xi32, #tpu.memory_space<vmem>> -> memref<128xi32, #tpu.memory_space<vmem>>
      %dma_start3A_30 = arith.constant 0 : i32
      %dma_start3A_31 = arith.constant 0 : i32
      %dma_start3A_32 = tpu.memref_slice %arg3[%dma_start3A_30, %dma_start3A_31] : memref<10000x128xf32, #tpu.memory_space<hbm>> -> memref<10000x128xf32, #tpu.memory_space<hbm>>
      tpu.enqueue_indirect_dma source(%dma_start3A_32 : memref<10000x128xf32, #tpu.memory_space<hbm>>) target(%arg12 : memref<128x128xf32, #tpu.memory_space<vmem>>) offsets(%dma_start3A_29 : memref<128xi32, #tpu.memory_space<vmem>>) semaphore(%arg15 : memref<!tpu.dma_semaphore, #tpu.memory_space<semaphore_mem>>)
      %scan3A = arith.constant 0 : i32
      %scan3A_33 = arith.constant 0 : i32
      %scan3A_34 = arith.constant 20 : i32
      %scan3A_35 = arith.addi %scan3A_33, %scan3A_34 : i32
      %scan3A_36 = arith.constant 1 : i32
      scf.for %scan3A_60 = %scan3A_33 to %scan3A_35 step %scan3A_36  : i32 {
        %mul3A_61 = arith.constant 2 : i32
        %mul3A_62 = arith.muli %scan3A_60, %mul3A_61 : i32
        %add3A = arith.constant 0 : i32
        %add3A_63 = arith.addi %mul3A_62, %add3A : i32
        %dma_wait3A = arith.constant 0 : i32
        %dma_wait3A_64 = tpu.memref_slice %arg9[%add3A_63, %dma_wait3A] : memref<40x128xi32, #tpu.memory_space<vmem>> -> memref<1x128xi32, #tpu.memory_space<vmem>>
        %dma_wait3A_65 = tpu.memref_squeeze %dma_wait3A_64 : memref<1x128xi32, #tpu.memory_space<vmem>> -> memref<128xi32, #tpu.memory_space<vmem>>
        %dma_wait3A_66 = arith.constant 0 : i32
        %dma_wait3A_67 = arith.constant 0 : i32
        %dma_wait3A_68 = tpu.memref_slice %arg3[%dma_wait3A_66, %dma_wait3A_67] : memref<10000x128xf32, #tpu.memory_space<hbm>> -> memref<10000x128xf32, #tpu.memory_space<hbm>>
        tpu.wait_indirect_dma semaphore(%arg14 : memref<!tpu.dma_semaphore, #tpu.memory_space<semaphore_mem>>) src(%dma_wait3A_68 : memref<10000x128xf32, #tpu.memory_space<hbm>>) dst(%arg11 : memref<128x128xf32, #tpu.memory_space<vmem>>)
        "tpu.region"() ({
          %run_scoped3A_90 = tpu.sem_alloc : memref<!tpu.dma_semaphore, #tpu.memory_space<semaphore_mem>>
          %dma_start3A_91 = arith.constant 0 : i32
          %dma_start3A_92 = tpu.memref_slice %arg10[%add3A_63, %dma_start3A_91] : memref<40x128xi32, #tpu.memory_space<vmem>> -> memref<1x128xi32, #tpu.memory_space<vmem>>
          %dma_start3A_93 = tpu.memref_squeeze %dma_start3A_92 : memref<1x128xi32, #tpu.memory_space<vmem>> -> memref<128xi32, #tpu.memory_space<vmem>>
          %dma_start3A_94 = arith.constant 0 : i32
          %dma_start3A_95 = arith.constant 0 : i32
          %dma_start3A_96 = tpu.memref_slice %arg13[%dma_start3A_94, %dma_start3A_95] : memref<10112x128xf32, #tpu.memory_space<vmem_shared>> -> memref<10112x128xf32, #tpu.memory_space<vmem_shared>>
          tpu.enqueue_indirect_dma source(%arg11 : memref<128x128xf32, #tpu.memory_space<vmem>>) target(%dma_start3A_96 : memref<10112x128xf32, #tpu.memory_space<vmem_shared>>) offsets(%dma_start3A_93 : memref<128xi32, #tpu.memory_space<vmem>>) semaphore(%run_scoped3A_90 : memref<!tpu.dma_semaphore, #tpu.memory_space<semaphore_mem>>) {add = true}
          %dma_wait3A_97 = arith.constant 0 : i32
          %dma_wait3A_98 = tpu.memref_slice %arg10[%add3A_63, %dma_wait3A_97] : memref<40x128xi32, #tpu.memory_space<vmem>> -> memref<1x128xi32, #tpu.memory_space<vmem>>
          %dma_wait3A_99 = tpu.memref_squeeze %dma_wait3A_98 : memref<1x128xi32, #tpu.memory_space<vmem>> -> memref<128xi32, #tpu.memory_space<vmem>>
          %dma_wait3A_100 = arith.constant 0 : i32
          %dma_wait3A_101 = arith.constant 0 : i32
          %dma_wait3A_102 = tpu.memref_slice %arg13[%dma_wait3A_100, %dma_wait3A_101] : memref<10112x128xf32, #tpu.memory_space<vmem_shared>> -> memref<10112x128xf32, #tpu.memory_space<vmem_shared>>
          tpu.wait_indirect_dma semaphore(%run_scoped3A_90 : memref<!tpu.dma_semaphore, #tpu.memory_space<semaphore_mem>>) src(%arg11 : memref<128x128xf32, #tpu.memory_space<vmem>>) dst(%dma_wait3A_102 : memref<10112x128xf32, #tpu.memory_space<vmem_shared>>)
          tpu.yield
        }) : () -> ()
        %add3A_69 = arith.constant 2 : i32
        %add3A_70 = arith.addi %add3A_63, %add3A_69 : i32
        %lt3A = arith.constant 40 : i32
        %lt3A_71 = arith.cmpi slt, %add3A_70, %lt3A : i32
        %convert_element_type3A_72 = arith.extui %lt3A_71 : i1 to i32
        %cond3A_73 = arith.constant 0 : i32
        %cond3A_74 = arith.cmpi ne, %convert_element_type3A_72, %cond3A_73 : i32
        scf.if %cond3A_74 {
          %add3A_90 = arith.constant 2 : i32
          %add3A_91 = arith.addi %add3A_63, %add3A_90 : i32
          %dma_start3A_92 = arith.constant 0 : i32
          %dma_start3A_93 = tpu.memref_slice %arg9[%add3A_91, %dma_start3A_92] : memref<40x128xi32, #tpu.memory_space<vmem>> -> memref<1x128xi32, #tpu.memory_space<vmem>>
          %dma_start3A_94 = tpu.memref_squeeze %dma_start3A_93 : memref<1x128xi32, #tpu.memory_space<vmem>> -> memref<128xi32, #tpu.memory_space<vmem>>
          %dma_start3A_95 = arith.constant 0 : i32
          %dma_start3A_96 = arith.constant 0 : i32
          %dma_start3A_97 = tpu.memref_slice %arg3[%dma_start3A_95, %dma_start3A_96] : memref<10000x128xf32, #tpu.memory_space<hbm>> -> memref<10000x128xf32, #tpu.memory_space<hbm>>
          tpu.enqueue_indirect_dma source(%dma_start3A_97 : memref<10000x128xf32, #tpu.memory_space<hbm>>) target(%arg11 : memref<128x128xf32, #tpu.memory_space<vmem>>) offsets(%dma_start3A_94 : memref<128xi32, #tpu.memory_space<vmem>>) semaphore(%arg14 : memref<!tpu.dma_semaphore, #tpu.memory_space<semaphore_mem>>)
        } else {
        }
        %add3A_75 = arith.constant 1 : i32
        %add3A_76 = arith.addi %mul3A_62, %add3A_75 : i32
        %dma_wait3A_77 = arith.constant 0 : i32
        %dma_wait3A_78 = tpu.memref_slice %arg9[%add3A_76, %dma_wait3A_77] : memref<40x128xi32, #tpu.memory_space<vmem>> -> memref<1x128xi32, #tpu.memory_space<vmem>>
        %dma_wait3A_79 = tpu.memref_squeeze %dma_wait3A_78 : memref<1x128xi32, #tpu.memory_space<vmem>> -> memref<128xi32, #tpu.memory_space<vmem>>
        %dma_wait3A_80 = arith.constant 0 : i32
        %dma_wait3A_81 = arith.constant 0 : i32
        %dma_wait3A_82 = tpu.memref_slice %arg3[%dma_wait3A_80, %dma_wait3A_81] : memref<10000x128xf32, #tpu.memory_space<hbm>> -> memref<10000x128xf32, #tpu.memory_space<hbm>>
        tpu.wait_indirect_dma semaphore(%arg15 : memref<!tpu.dma_semaphore, #tpu.memory_space<semaphore_mem>>) src(%dma_wait3A_82 : memref<10000x128xf32, #tpu.memory_space<hbm>>) dst(%arg12 : memref<128x128xf32, #tpu.memory_space<vmem>>)
        "tpu.region"() ({
          %run_scoped3A_90 = tpu.sem_alloc : memref<!tpu.dma_semaphore, #tpu.memory_space<semaphore_mem>>
          %dma_start3A_91 = arith.constant 0 : i32
          %dma_start3A_92 = tpu.memref_slice %arg10[%add3A_76, %dma_start3A_91] : memref<40x128xi32, #tpu.memory_space<vmem>> -> memref<1x128xi32, #tpu.memory_space<vmem>>
          %dma_start3A_93 = tpu.memref_squeeze %dma_start3A_92 : memref<1x128xi32, #tpu.memory_space<vmem>> -> memref<128xi32, #tpu.memory_space<vmem>>
          %dma_start3A_94 = arith.constant 0 : i32
          %dma_start3A_95 = arith.constant 0 : i32
          %dma_start3A_96 = tpu.memref_slice %arg13[%dma_start3A_94, %dma_start3A_95] : memref<10112x128xf32, #tpu.memory_space<vmem_shared>> -> memref<10112x128xf32, #tpu.memory_space<vmem_shared>>
          tpu.enqueue_indirect_dma source(%arg12 : memref<128x128xf32, #tpu.memory_space<vmem>>) target(%dma_start3A_96 : memref<10112x128xf32, #tpu.memory_space<vmem_shared>>) offsets(%dma_start3A_93 : memref<128xi32, #tpu.memory_space<vmem>>) semaphore(%run_scoped3A_90 : memref<!tpu.dma_semaphore, #tpu.memory_space<semaphore_mem>>) {add = true}
          %dma_wait3A_97 = arith.constant 0 : i32
          %dma_wait3A_98 = tpu.memref_slice %arg10[%add3A_76, %dma_wait3A_97] : memref<40x128xi32, #tpu.memory_space<vmem>> -> memref<1x128xi32, #tpu.memory_space<vmem>>
          %dma_wait3A_99 = tpu.memref_squeeze %dma_wait3A_98 : memref<1x128xi32, #tpu.memory_space<vmem>> -> memref<128xi32, #tpu.memory_space<vmem>>
          %dma_wait3A_100 = arith.constant 0 : i32
          %dma_wait3A_101 = arith.constant 0 : i32
          %dma_wait3A_102 = tpu.memref_slice %arg13[%dma_wait3A_100, %dma_wait3A_101] : memref<10112x128xf32, #tpu.memory_space<vmem_shared>> -> memref<10112x128xf32, #tpu.memory_space<vmem_shared>>
          tpu.wait_indirect_dma semaphore(%run_scoped3A_90 : memref<!tpu.dma_semaphore, #tpu.memory_space<semaphore_mem>>) src(%arg12 : memref<128x128xf32, #tpu.memory_space<vmem>>) dst(%dma_wait3A_102 : memref<10112x128xf32, #tpu.memory_space<vmem_shared>>)
          tpu.yield
        }) : () -> ()
        %add3A_83 = arith.constant 2 : i32
        %add3A_84 = arith.addi %add3A_76, %add3A_83 : i32
        %lt3A_85 = arith.constant 40 : i32
        %lt3A_86 = arith.cmpi slt, %add3A_84, %lt3A_85 : i32
        %convert_element_type3A_87 = arith.extui %lt3A_86 : i1 to i32
        %cond3A_88 = arith.constant 0 : i32
        %cond3A_89 = arith.cmpi ne, %convert_element_type3A_87, %cond3A_88 : i32
        scf.if %cond3A_89 {
          %add3A_90 = arith.constant 2 : i32
          %add3A_91 = arith.addi %add3A_76, %add3A_90 : i32
          %dma_start3A_92 = arith.constant 0 : i32
          %dma_start3A_93 = tpu.memref_slice %arg9[%add3A_91, %dma_start3A_92] : memref<40x128xi32, #tpu.memory_space<vmem>> -> memref<1x128xi32, #tpu.memory_space<vmem>>
          %dma_start3A_94 = tpu.memref_squeeze %dma_start3A_93 : memref<1x128xi32, #tpu.memory_space<vmem>> -> memref<128xi32, #tpu.memory_space<vmem>>
          %dma_start3A_95 = arith.constant 0 : i32
          %dma_start3A_96 = arith.constant 0 : i32
          %dma_start3A_97 = tpu.memref_slice %arg3[%dma_start3A_95, %dma_start3A_96] : memref<10000x128xf32, #tpu.memory_space<hbm>> -> memref<10000x128xf32, #tpu.memory_space<hbm>>
          tpu.enqueue_indirect_dma source(%dma_start3A_97 : memref<10000x128xf32, #tpu.memory_space<hbm>>) target(%arg12 : memref<128x128xf32, #tpu.memory_space<vmem>>) offsets(%dma_start3A_94 : memref<128xi32, #tpu.memory_space<vmem>>) semaphore(%arg15 : memref<!tpu.dma_semaphore, #tpu.memory_space<semaphore_mem>>)
        } else {
        }
      }
      %scan3A_37 = arith.constant 20 : i32
      %run_scoped3A_38 = arith.constant 1 : i32
      "tpu.region"() ({
        %run_scoped3A_60 = tpu.sem_alloc : memref<!tpu.dma_semaphore, #tpu.memory_space<semaphore_mem>>
        %dma_start3A_61 = arith.constant 0 : i32
        %dma_start3A_62 = arith.constant 0 : i32
        %dma_start3A_63 = tpu.memref_slice %arg4[%arg1, %run_scoped3A_38, %dma_start3A_61, %dma_start3A_62] : memref<16x2x40x128xi32, #tpu.memory_space<hbm>> -> memref<1x1x40x128xi32, #tpu.memory_space<hbm>>
        %dma_start3A_64 = tpu.memref_squeeze %dma_start3A_63 : memref<1x1x40x128xi32, #tpu.memory_space<hbm>> -> memref<40x128xi32, #tpu.memory_space<hbm>>
        %dma_start3A_65 = arith.constant 0 : i32
        %dma_start3A_66 = arith.constant 0 : i32
        %dma_start3A_67 = tpu.memref_slice %arg4[%arg1, %run_scoped3A_38, %dma_start3A_65, %dma_start3A_66] : memref<16x2x40x128xi32, #tpu.memory_space<hbm>> -> memref<1x1x40x128xi32, #tpu.memory_space<hbm>>
        %dma_start3A_68 = tpu.memref_squeeze %dma_start3A_67 : memref<1x1x40x128xi32, #tpu.memory_space<hbm>> -> memref<40x128xi32, #tpu.memory_space<hbm>>
        tpu.enqueue_dma source(%dma_start3A_68 : memref<40x128xi32, #tpu.memory_space<hbm>>) target(%arg9 : memref<40x128xi32, #tpu.memory_space<vmem>>) target_semaphore(%run_scoped3A_60 : memref<!tpu.dma_semaphore, #tpu.memory_space<semaphore_mem>>)
        %dma_wait3A = arith.constant 0 : i32
        %dma_wait3A_69 = arith.constant 0 : i32
        %dma_wait3A_70 = tpu.memref_slice %arg4[%arg1, %run_scoped3A_38, %dma_wait3A, %dma_wait3A_69] : memref<16x2x40x128xi32, #tpu.memory_space<hbm>> -> memref<1x1x40x128xi32, #tpu.memory_space<hbm>>
        %dma_wait3A_71 = tpu.memref_squeeze %dma_wait3A_70 : memref<1x1x40x128xi32, #tpu.memory_space<hbm>> -> memref<40x128xi32, #tpu.memory_space<hbm>>
        %dma_wait3A_72 = arith.constant 0 : i32
        %dma_wait3A_73 = arith.constant 0 : i32
        %dma_wait3A_74 = tpu.memref_slice %arg4[%arg1, %run_scoped3A_38, %dma_wait3A_72, %dma_wait3A_73] : memref<16x2x40x128xi32, #tpu.memory_space<hbm>> -> memref<1x1x40x128xi32, #tpu.memory_space<hbm>>
        %dma_wait3A_75 = tpu.memref_squeeze %dma_wait3A_74 : memref<1x1x40x128xi32, #tpu.memory_space<hbm>> -> memref<40x128xi32, #tpu.memory_space<hbm>>
        tpu.wait_dma2 semaphore(%run_scoped3A_60 : memref<!tpu.dma_semaphore, #tpu.memory_space<semaphore_mem>>) src(%dma_wait3A_75 : memref<40x128xi32, #tpu.memory_space<hbm>>) dst(%arg9 : memref<40x128xi32, #tpu.memory_space<vmem>>)
        tpu.yield
      }) : () -> ()
      %run_scoped3A_39 = arith.constant 1 : i32
      "tpu.region"() ({
        %run_scoped3A_60 = tpu.sem_alloc : memref<!tpu.dma_semaphore, #tpu.memory_space<semaphore_mem>>
        %dma_start3A_61 = arith.constant 0 : i32
        %dma_start3A_62 = arith.constant 0 : i32
        %dma_start3A_63 = tpu.memref_slice %arg5[%arg1, %run_scoped3A_39, %dma_start3A_61, %dma_start3A_62] : memref<16x2x40x128xi32, #tpu.memory_space<hbm>> -> memref<1x1x40x128xi32, #tpu.memory_space<hbm>>
        %dma_start3A_64 = tpu.memref_squeeze %dma_start3A_63 : memref<1x1x40x128xi32, #tpu.memory_space<hbm>> -> memref<40x128xi32, #tpu.memory_space<hbm>>
        %dma_start3A_65 = arith.constant 0 : i32
        %dma_start3A_66 = arith.constant 0 : i32
        %dma_start3A_67 = tpu.memref_slice %arg5[%arg1, %run_scoped3A_39, %dma_start3A_65, %dma_start3A_66] : memref<16x2x40x128xi32, #tpu.memory_space<hbm>> -> memref<1x1x40x128xi32, #tpu.memory_space<hbm>>
        %dma_start3A_68 = tpu.memref_squeeze %dma_start3A_67 : memref<1x1x40x128xi32, #tpu.memory_space<hbm>> -> memref<40x128xi32, #tpu.memory_space<hbm>>
        tpu.enqueue_dma source(%dma_start3A_68 : memref<40x128xi32, #tpu.memory_space<hbm>>) target(%arg10 : memref<40x128xi32, #tpu.memory_space<vmem>>) target_semaphore(%run_scoped3A_60 : memref<!tpu.dma_semaphore, #tpu.memory_space<semaphore_mem>>)
        %dma_wait3A = arith.constant 0 : i32
        %dma_wait3A_69 = arith.constant 0 : i32
        %dma_wait3A_70 = tpu.memref_slice %arg5[%arg1, %run_scoped3A_39, %dma_wait3A, %dma_wait3A_69] : memref<16x2x40x128xi32, #tpu.memory_space<hbm>> -> memref<1x1x40x128xi32, #tpu.memory_space<hbm>>
        %dma_wait3A_71 = tpu.memref_squeeze %dma_wait3A_70 : memref<1x1x40x128xi32, #tpu.memory_space<hbm>> -> memref<40x128xi32, #tpu.memory_space<hbm>>
        %dma_wait3A_72 = arith.constant 0 : i32
        %dma_wait3A_73 = arith.constant 0 : i32
        %dma_wait3A_74 = tpu.memref_slice %arg5[%arg1, %run_scoped3A_39, %dma_wait3A_72, %dma_wait3A_73] : memref<16x2x40x128xi32, #tpu.memory_space<hbm>> -> memref<1x1x40x128xi32, #tpu.memory_space<hbm>>
        %dma_wait3A_75 = tpu.memref_squeeze %dma_wait3A_74 : memref<1x1x40x128xi32, #tpu.memory_space<hbm>> -> memref<40x128xi32, #tpu.memory_space<hbm>>
        tpu.wait_dma2 semaphore(%run_scoped3A_60 : memref<!tpu.dma_semaphore, #tpu.memory_space<semaphore_mem>>) src(%dma_wait3A_75 : memref<40x128xi32, #tpu.memory_space<hbm>>) dst(%arg10 : memref<40x128xi32, #tpu.memory_space<vmem>>)
        tpu.yield
      }) : () -> ()
      %dma_start3A_40 = arith.constant 0 : i32
      %dma_start3A_41 = arith.constant 0 : i32
      %dma_start3A_42 = tpu.memref_slice %arg9[%dma_start3A_40, %dma_start3A_41] : memref<40x128xi32, #tpu.memory_space<vmem>> -> memref<1x128xi32, #tpu.memory_space<vmem>>
      %dma_start3A_43 = tpu.memref_squeeze %dma_start3A_42 : memref<1x128xi32, #tpu.memory_space<vmem>> -> memref<128xi32, #tpu.memory_space<vmem>>
      %dma_start3A_44 = arith.constant 0 : i32
      %dma_start3A_45 = arith.constant 0 : i32
      %dma_start3A_46 = tpu.memref_slice %arg3[%dma_start3A_44, %dma_start3A_45] : memref<10000x128xf32, #tpu.memory_space<hbm>> -> memref<10000x128xf32, #tpu.memory_space<hbm>>
      tpu.enqueue_indirect_dma source(%dma_start3A_46 : memref<10000x128xf32, #tpu.memory_space<hbm>>) target(%arg11 : memref<128x128xf32, #tpu.memory_space<vmem>>) offsets(%dma_start3A_43 : memref<128xi32, #tpu.memory_space<vmem>>) semaphore(%arg14 : memref<!tpu.dma_semaphore, #tpu.memory_space<semaphore_mem>>)
      %dma_start3A_47 = arith.constant 1 : i32
      %dma_start3A_48 = arith.constant 0 : i32
      %dma_start3A_49 = tpu.memref_slice %arg9[%dma_start3A_47, %dma_start3A_48] : memref<40x128xi32, #tpu.memory_space<vmem>> -> memref<1x128xi32, #tpu.memory_space<vmem>>
      %dma_start3A_50 = tpu.memref_squeeze %dma_start3A_49 : memref<1x128xi32, #tpu.memory_space<vmem>> -> memref<128xi32, #tpu.memory_space<vmem>>
      %dma_start3A_51 = arith.constant 0 : i32
      %dma_start3A_52 = arith.constant 0 : i32
      %dma_start3A_53 = tpu.memref_slice %arg3[%dma_start3A_51, %dma_start3A_52] : memref<10000x128xf32, #tpu.memory_space<hbm>> -> memref<10000x128xf32, #tpu.memory_space<hbm>>
      tpu.enqueue_indirect_dma source(%dma_start3A_53 : memref<10000x128xf32, #tpu.memory_space<hbm>>) target(%arg12 : memref<128x128xf32, #tpu.memory_space<vmem>>) offsets(%dma_start3A_50 : memref<128xi32, #tpu.memory_space<vmem>>) semaphore(%arg15 : memref<!tpu.dma_semaphore, #tpu.memory_space<semaphore_mem>>)
      %scan3A_54 = arith.constant 0 : i32
      %scan3A_55 = arith.constant 0 : i32
      %scan3A_56 = arith.constant 20 : i32
      %scan3A_57 = arith.addi %scan3A_55, %scan3A_56 : i32
      %scan3A_58 = arith.constant 1 : i32
      scf.for %scan3A_60 = %scan3A_55 to %scan3A_57 step %scan3A_58  : i32 {
        %mul3A_61 = arith.constant 2 : i32
        %mul3A_62 = arith.muli %scan3A_60, %mul3A_61 : i32
        %add3A = arith.constant 0 : i32
        %add3A_63 = arith.addi %mul3A_62, %add3A : i32
        %dma_wait3A = arith.constant 0 : i32
        %dma_wait3A_64 = tpu.memref_slice %arg9[%add3A_63, %dma_wait3A] : memref<40x128xi32, #tpu.memory_space<vmem>> -> memref<1x128xi32, #tpu.memory_space<vmem>>
        %dma_wait3A_65 = tpu.memref_squeeze %dma_wait3A_64 : memref<1x128xi32, #tpu.memory_space<vmem>> -> memref<128xi32, #tpu.memory_space<vmem>>
        %dma_wait3A_66 = arith.constant 0 : i32
        %dma_wait3A_67 = arith.constant 0 : i32
        %dma_wait3A_68 = tpu.memref_slice %arg3[%dma_wait3A_66, %dma_wait3A_67] : memref<10000x128xf32, #tpu.memory_space<hbm>> -> memref<10000x128xf32, #tpu.memory_space<hbm>>
        tpu.wait_indirect_dma semaphore(%arg14 : memref<!tpu.dma_semaphore, #tpu.memory_space<semaphore_mem>>) src(%dma_wait3A_68 : memref<10000x128xf32, #tpu.memory_space<hbm>>) dst(%arg11 : memref<128x128xf32, #tpu.memory_space<vmem>>)
        "tpu.region"() ({
          %run_scoped3A_90 = tpu.sem_alloc : memref<!tpu.dma_semaphore, #tpu.memory_space<semaphore_mem>>
          %dma_start3A_91 = arith.constant 0 : i32
          %dma_start3A_92 = tpu.memref_slice %arg10[%add3A_63, %dma_start3A_91] : memref<40x128xi32, #tpu.memory_space<vmem>> -> memref<1x128xi32, #tpu.memory_space<vmem>>
          %dma_start3A_93 = tpu.memref_squeeze %dma_start3A_92 : memref<1x128xi32, #tpu.memory_space<vmem>> -> memref<128xi32, #tpu.memory_space<vmem>>
          %dma_start3A_94 = arith.constant 0 : i32
          %dma_start3A_95 = arith.constant 0 : i32
          %dma_start3A_96 = tpu.memref_slice %arg13[%dma_start3A_94, %dma_start3A_95] : memref<10112x128xf32, #tpu.memory_space<vmem_shared>> -> memref<10112x128xf32, #tpu.memory_space<vmem_shared>>
          tpu.enqueue_indirect_dma source(%arg11 : memref<128x128xf32, #tpu.memory_space<vmem>>) target(%dma_start3A_96 : memref<10112x128xf32, #tpu.memory_space<vmem_shared>>) offsets(%dma_start3A_93 : memref<128xi32, #tpu.memory_space<vmem>>) semaphore(%run_scoped3A_90 : memref<!tpu.dma_semaphore, #tpu.memory_space<semaphore_mem>>) {add = true}
          %dma_wait3A_97 = arith.constant 0 : i32
          %dma_wait3A_98 = tpu.memref_slice %arg10[%add3A_63, %dma_wait3A_97] : memref<40x128xi32, #tpu.memory_space<vmem>> -> memref<1x128xi32, #tpu.memory_space<vmem>>
          %dma_wait3A_99 = tpu.memref_squeeze %dma_wait3A_98 : memref<1x128xi32, #tpu.memory_space<vmem>> -> memref<128xi32, #tpu.memory_space<vmem>>
          %dma_wait3A_100 = arith.constant 0 : i32
          %dma_wait3A_101 = arith.constant 0 : i32
          %dma_wait3A_102 = tpu.memref_slice %arg13[%dma_wait3A_100, %dma_wait3A_101] : memref<10112x128xf32, #tpu.memory_space<vmem_shared>> -> memref<10112x128xf32, #tpu.memory_space<vmem_shared>>
          tpu.wait_indirect_dma semaphore(%run_scoped3A_90 : memref<!tpu.dma_semaphore, #tpu.memory_space<semaphore_mem>>) src(%arg11 : memref<128x128xf32, #tpu.memory_space<vmem>>) dst(%dma_wait3A_102 : memref<10112x128xf32, #tpu.memory_space<vmem_shared>>)
          tpu.yield
        }) : () -> ()
        %add3A_69 = arith.constant 2 : i32
        %add3A_70 = arith.addi %add3A_63, %add3A_69 : i32
        %lt3A = arith.constant 40 : i32
        %lt3A_71 = arith.cmpi slt, %add3A_70, %lt3A : i32
        %convert_element_type3A_72 = arith.extui %lt3A_71 : i1 to i32
        %cond3A_73 = arith.constant 0 : i32
        %cond3A_74 = arith.cmpi ne, %convert_element_type3A_72, %cond3A_73 : i32
        scf.if %cond3A_74 {
          %add3A_90 = arith.constant 2 : i32
          %add3A_91 = arith.addi %add3A_63, %add3A_90 : i32
          %dma_start3A_92 = arith.constant 0 : i32
          %dma_start3A_93 = tpu.memref_slice %arg9[%add3A_91, %dma_start3A_92] : memref<40x128xi32, #tpu.memory_space<vmem>> -> memref<1x128xi32, #tpu.memory_space<vmem>>
          %dma_start3A_94 = tpu.memref_squeeze %dma_start3A_93 : memref<1x128xi32, #tpu.memory_space<vmem>> -> memref<128xi32, #tpu.memory_space<vmem>>
          %dma_start3A_95 = arith.constant 0 : i32
          %dma_start3A_96 = arith.constant 0 : i32
          %dma_start3A_97 = tpu.memref_slice %arg3[%dma_start3A_95, %dma_start3A_96] : memref<10000x128xf32, #tpu.memory_space<hbm>> -> memref<10000x128xf32, #tpu.memory_space<hbm>>
          tpu.enqueue_indirect_dma source(%dma_start3A_97 : memref<10000x128xf32, #tpu.memory_space<hbm>>) target(%arg11 : memref<128x128xf32, #tpu.memory_space<vmem>>) offsets(%dma_start3A_94 : memref<128xi32, #tpu.memory_space<vmem>>) semaphore(%arg14 : memref<!tpu.dma_semaphore, #tpu.memory_space<semaphore_mem>>)
        } else {
        }
        %add3A_75 = arith.constant 1 : i32
        %add3A_76 = arith.addi %mul3A_62, %add3A_75 : i32
        %dma_wait3A_77 = arith.constant 0 : i32
        %dma_wait3A_78 = tpu.memref_slice %arg9[%add3A_76, %dma_wait3A_77] : memref<40x128xi32, #tpu.memory_space<vmem>> -> memref<1x128xi32, #tpu.memory_space<vmem>>
        %dma_wait3A_79 = tpu.memref_squeeze %dma_wait3A_78 : memref<1x128xi32, #tpu.memory_space<vmem>> -> memref<128xi32, #tpu.memory_space<vmem>>
        %dma_wait3A_80 = arith.constant 0 : i32
        %dma_wait3A_81 = arith.constant 0 : i32
        %dma_wait3A_82 = tpu.memref_slice %arg3[%dma_wait3A_80, %dma_wait3A_81] : memref<10000x128xf32, #tpu.memory_space<hbm>> -> memref<10000x128xf32, #tpu.memory_space<hbm>>
        tpu.wait_indirect_dma semaphore(%arg15 : memref<!tpu.dma_semaphore, #tpu.memory_space<semaphore_mem>>) src(%dma_wait3A_82 : memref<10000x128xf32, #tpu.memory_space<hbm>>) dst(%arg12 : memref<128x128xf32, #tpu.memory_space<vmem>>)
        "tpu.region"() ({
          %run_scoped3A_90 = tpu.sem_alloc : memref<!tpu.dma_semaphore, #tpu.memory_space<semaphore_mem>>
          %dma_start3A_91 = arith.constant 0 : i32
          %dma_start3A_92 = tpu.memref_slice %arg10[%add3A_76, %dma_start3A_91] : memref<40x128xi32, #tpu.memory_space<vmem>> -> memref<1x128xi32, #tpu.memory_space<vmem>>
          %dma_start3A_93 = tpu.memref_squeeze %dma_start3A_92 : memref<1x128xi32, #tpu.memory_space<vmem>> -> memref<128xi32, #tpu.memory_space<vmem>>
          %dma_start3A_94 = arith.constant 0 : i32
          %dma_start3A_95 = arith.constant 0 : i32
          %dma_start3A_96 = tpu.memref_slice %arg13[%dma_start3A_94, %dma_start3A_95] : memref<10112x128xf32, #tpu.memory_space<vmem_shared>> -> memref<10112x128xf32, #tpu.memory_space<vmem_shared>>
          tpu.enqueue_indirect_dma source(%arg12 : memref<128x128xf32, #tpu.memory_space<vmem>>) target(%dma_start3A_96 : memref<10112x128xf32, #tpu.memory_space<vmem_shared>>) offsets(%dma_start3A_93 : memref<128xi32, #tpu.memory_space<vmem>>) semaphore(%run_scoped3A_90 : memref<!tpu.dma_semaphore, #tpu.memory_space<semaphore_mem>>) {add = true}
          %dma_wait3A_97 = arith.constant 0 : i32
          %dma_wait3A_98 = tpu.memref_slice %arg10[%add3A_76, %dma_wait3A_97] : memref<40x128xi32, #tpu.memory_space<vmem>> -> memref<1x128xi32, #tpu.memory_space<vmem>>
          %dma_wait3A_99 = tpu.memref_squeeze %dma_wait3A_98 : memref<1x128xi32, #tpu.memory_space<vmem>> -> memref<128xi32, #tpu.memory_space<vmem>>
          %dma_wait3A_100 = arith.constant 0 : i32
          %dma_wait3A_101 = arith.constant 0 : i32
          %dma_wait3A_102 = tpu.memref_slice %arg13[%dma_wait3A_100, %dma_wait3A_101] : memref<10112x128xf32, #tpu.memory_space<vmem_shared>> -> memref<10112x128xf32, #tpu.memory_space<vmem_shared>>
          tpu.wait_indirect_dma semaphore(%run_scoped3A_90 : memref<!tpu.dma_semaphore, #tpu.memory_space<semaphore_mem>>) src(%arg12 : memref<128x128xf32, #tpu.memory_space<vmem>>) dst(%dma_wait3A_102 : memref<10112x128xf32, #tpu.memory_space<vmem_shared>>)
          tpu.yield
        }) : () -> ()
        %add3A_83 = arith.constant 2 : i32
        %add3A_84 = arith.addi %add3A_76, %add3A_83 : i32
        %lt3A_85 = arith.constant 40 : i32
        %lt3A_86 = arith.cmpi slt, %add3A_84, %lt3A_85 : i32
        %convert_element_type3A_87 = arith.extui %lt3A_86 : i1 to i32
        %cond3A_88 = arith.constant 0 : i32
        %cond3A_89 = arith.cmpi ne, %convert_element_type3A_87, %cond3A_88 : i32
        scf.if %cond3A_89 {
          %add3A_90 = arith.constant 2 : i32
          %add3A_91 = arith.addi %add3A_76, %add3A_90 : i32
          %dma_start3A_92 = arith.constant 0 : i32
          %dma_start3A_93 = tpu.memref_slice %arg9[%add3A_91, %dma_start3A_92] : memref<40x128xi32, #tpu.memory_space<vmem>> -> memref<1x128xi32, #tpu.memory_space<vmem>>
          %dma_start3A_94 = tpu.memref_squeeze %dma_start3A_93 : memref<1x128xi32, #tpu.memory_space<vmem>> -> memref<128xi32, #tpu.memory_space<vmem>>
          %dma_start3A_95 = arith.constant 0 : i32
          %dma_start3A_96 = arith.constant 0 : i32
          %dma_start3A_97 = tpu.memref_slice %arg3[%dma_start3A_95, %dma_start3A_96] : memref<10000x128xf32, #tpu.memory_space<hbm>> -> memref<10000x128xf32, #tpu.memory_space<hbm>>
          tpu.enqueue_indirect_dma source(%dma_start3A_97 : memref<10000x128xf32, #tpu.memory_space<hbm>>) target(%arg12 : memref<128x128xf32, #tpu.memory_space<vmem>>) offsets(%dma_start3A_94 : memref<128xi32, #tpu.memory_space<vmem>>) semaphore(%arg15 : memref<!tpu.dma_semaphore, #tpu.memory_space<semaphore_mem>>)
        } else {
        }
      }
      %scan3A_59 = arith.constant 20 : i32
    } else {
    }
    %barrier3A_8 = arith.constant 0 : index
    tpu.barrier barrier_id(%barrier3A_8)
    %eq3A_9 = arith.constant 0 : i32
    %eq3A_10 = arith.cmpi eq, %arg0, %eq3A_9 : i32
    %convert_element_type3A_11 = arith.extui %eq3A_10 : i1 to i32
    %cond3A_12 = arith.constant 0 : i32
    %cond3A_13 = arith.cmpi ne, %convert_element_type3A_11, %cond3A_12 : i32
    scf.if %cond3A_13 {
      %mul3A_19 = arith.constant 624 : i32
      %mul3A_20 = arith.muli %arg1, %mul3A_19 : i32
      %mul3A_21 = arith.constant 624 : i32
      %mul3A_22 = arith.muli %arg1, %mul3A_21 : i32
      "tpu.region"() ({
        %run_scoped3A = tpu.sem_alloc : memref<!tpu.dma_semaphore, #tpu.memory_space<semaphore_mem>>
        %dma_start3A = arith.constant 0 : i32
        %dma_start3A_28 = tpu.memref_slice %arg7[%mul3A_22, %dma_start3A] : memref<10000x128xf32, #tpu.memory_space<hbm>> -> memref<624x128xf32, #tpu.memory_space<hbm>>
        %dma_start3A_29 = arith.constant 0 : i32
        %dma_start3A_30 = tpu.memref_slice %arg13[%mul3A_20, %dma_start3A_29] : memref<10112x128xf32, #tpu.memory_space<vmem_shared>> -> memref<624x128xf32, #tpu.memory_space<vmem_shared>>
        tpu.enqueue_dma source(%dma_start3A_30 : memref<624x128xf32, #tpu.memory_space<vmem_shared>>) target(%dma_start3A_28 : memref<624x128xf32, #tpu.memory_space<hbm>>) target_semaphore(%run_scoped3A : memref<!tpu.dma_semaphore, #tpu.memory_space<semaphore_mem>>)
        %dma_wait3A = arith.constant 0 : i32
        %dma_wait3A_31 = tpu.memref_slice %arg7[%mul3A_22, %dma_wait3A] : memref<10000x128xf32, #tpu.memory_space<hbm>> -> memref<624x128xf32, #tpu.memory_space<hbm>>
        %dma_wait3A_32 = arith.constant 0 : i32
        %dma_wait3A_33 = tpu.memref_slice %arg13[%mul3A_20, %dma_wait3A_32] : memref<10112x128xf32, #tpu.memory_space<vmem_shared>> -> memref<624x128xf32, #tpu.memory_space<vmem_shared>>
        tpu.wait_dma2 semaphore(%run_scoped3A : memref<!tpu.dma_semaphore, #tpu.memory_space<semaphore_mem>>) src(%dma_wait3A_33 : memref<624x128xf32, #tpu.memory_space<vmem_shared>>) dst(%dma_wait3A_31 : memref<624x128xf32, #tpu.memory_space<hbm>>)
        tpu.yield
      }) : () -> ()
      %eq3A_23 = arith.constant 0 : i32
      %eq3A_24 = arith.cmpi eq, %arg1, %eq3A_23 : i32
      %convert_element_type3A_25 = arith.extui %eq3A_24 : i1 to i32
      %cond3A_26 = arith.constant 0 : i32
      %cond3A_27 = arith.cmpi ne, %convert_element_type3A_25, %cond3A_26 : i32
      scf.if %cond3A_27 {
        "tpu.region"() ({
          %run_scoped3A = tpu.sem_alloc : memref<!tpu.dma_semaphore, #tpu.memory_space<semaphore_mem>>
          %dma_start3A = arith.constant 9984 : i32
          %dma_start3A_28 = arith.constant 0 : i32
          %dma_start3A_29 = tpu.memref_slice %arg7[%dma_start3A, %dma_start3A_28] : memref<10000x128xf32, #tpu.memory_space<hbm>> -> memref<16x128xf32, #tpu.memory_space<hbm>>
          %dma_start3A_30 = arith.constant 9984 : i32
          %dma_start3A_31 = arith.constant 0 : i32
          %dma_start3A_32 = tpu.memref_slice %arg13[%dma_start3A_30, %dma_start3A_31] : memref<10112x128xf32, #tpu.memory_space<vmem_shared>> -> memref<16x128xf32, #tpu.memory_space<vmem_shared>>
          tpu.enqueue_dma source(%dma_start3A_32 : memref<16x128xf32, #tpu.memory_space<vmem_shared>>) target(%dma_start3A_29 : memref<16x128xf32, #tpu.memory_space<hbm>>) target_semaphore(%run_scoped3A : memref<!tpu.dma_semaphore, #tpu.memory_space<semaphore_mem>>)
          %dma_wait3A = arith.constant 9984 : i32
          %dma_wait3A_33 = arith.constant 0 : i32
          %dma_wait3A_34 = tpu.memref_slice %arg7[%dma_wait3A, %dma_wait3A_33] : memref<10000x128xf32, #tpu.memory_space<hbm>> -> memref<16x128xf32, #tpu.memory_space<hbm>>
          %dma_wait3A_35 = arith.constant 9984 : i32
          %dma_wait3A_36 = arith.constant 0 : i32
          %dma_wait3A_37 = tpu.memref_slice %arg13[%dma_wait3A_35, %dma_wait3A_36] : memref<10112x128xf32, #tpu.memory_space<vmem_shared>> -> memref<16x128xf32, #tpu.memory_space<vmem_shared>>
          tpu.wait_dma2 semaphore(%run_scoped3A : memref<!tpu.dma_semaphore, #tpu.memory_space<semaphore_mem>>) src(%dma_wait3A_37 : memref<16x128xf32, #tpu.memory_space<vmem_shared>>) dst(%dma_wait3A_34 : memref<16x128xf32, #tpu.memory_space<hbm>>)
          tpu.yield
        }) : () -> ()
      } else {
      }
    } else {
    }
    %eq3A_14 = arith.constant 1 : i32
    %eq3A_15 = arith.cmpi eq, %arg0, %eq3A_14 : i32
    %convert_element_type3A_16 = arith.extui %eq3A_15 : i1 to i32
    %cond3A_17 = arith.constant 0 : i32
    %cond3A_18 = arith.cmpi ne, %convert_element_type3A_16, %cond3A_17 : i32
    scf.if %cond3A_18 {
      %mul3A_19 = arith.constant 624 : i32
      %mul3A_20 = arith.muli %arg1, %mul3A_19 : i32
      %mul3A_21 = arith.constant 624 : i32
      %mul3A_22 = arith.muli %arg1, %mul3A_21 : i32
      "tpu.region"() ({
        %run_scoped3A = tpu.sem_alloc : memref<!tpu.dma_semaphore, #tpu.memory_space<semaphore_mem>>
        %dma_start3A = arith.constant 0 : i32
        %dma_start3A_28 = tpu.memref_slice %arg8[%mul3A_22, %dma_start3A] : memref<10000x128xf32, #tpu.memory_space<hbm>> -> memref<624x128xf32, #tpu.memory_space<hbm>>
        %dma_start3A_29 = arith.constant 0 : i32
        %dma_start3A_30 = tpu.memref_slice %arg13[%mul3A_20, %dma_start3A_29] : memref<10112x128xf32, #tpu.memory_space<vmem_shared>> -> memref<624x128xf32, #tpu.memory_space<vmem_shared>>
        tpu.enqueue_dma source(%dma_start3A_30 : memref<624x128xf32, #tpu.memory_space<vmem_shared>>) target(%dma_start3A_28 : memref<624x128xf32, #tpu.memory_space<hbm>>) target_semaphore(%run_scoped3A : memref<!tpu.dma_semaphore, #tpu.memory_space<semaphore_mem>>)
        %dma_wait3A = arith.constant 0 : i32
        %dma_wait3A_31 = tpu.memref_slice %arg8[%mul3A_22, %dma_wait3A] : memref<10000x128xf32, #tpu.memory_space<hbm>> -> memref<624x128xf32, #tpu.memory_space<hbm>>
        %dma_wait3A_32 = arith.constant 0 : i32
        %dma_wait3A_33 = tpu.memref_slice %arg13[%mul3A_20, %dma_wait3A_32] : memref<10112x128xf32, #tpu.memory_space<vmem_shared>> -> memref<624x128xf32, #tpu.memory_space<vmem_shared>>
        tpu.wait_dma2 semaphore(%run_scoped3A : memref<!tpu.dma_semaphore, #tpu.memory_space<semaphore_mem>>) src(%dma_wait3A_33 : memref<624x128xf32, #tpu.memory_space<vmem_shared>>) dst(%dma_wait3A_31 : memref<624x128xf32, #tpu.memory_space<hbm>>)
        tpu.yield
      }) : () -> ()
      %eq3A_23 = arith.constant 0 : i32
      %eq3A_24 = arith.cmpi eq, %arg1, %eq3A_23 : i32
      %convert_element_type3A_25 = arith.extui %eq3A_24 : i1 to i32
      %cond3A_26 = arith.constant 0 : i32
      %cond3A_27 = arith.cmpi ne, %convert_element_type3A_25, %cond3A_26 : i32
      scf.if %cond3A_27 {
        "tpu.region"() ({
          %run_scoped3A = tpu.sem_alloc : memref<!tpu.dma_semaphore, #tpu.memory_space<semaphore_mem>>
          %dma_start3A = arith.constant 9984 : i32
          %dma_start3A_28 = arith.constant 0 : i32
          %dma_start3A_29 = tpu.memref_slice %arg8[%dma_start3A, %dma_start3A_28] : memref<10000x128xf32, #tpu.memory_space<hbm>> -> memref<16x128xf32, #tpu.memory_space<hbm>>
          %dma_start3A_30 = arith.constant 9984 : i32
          %dma_start3A_31 = arith.constant 0 : i32
          %dma_start3A_32 = tpu.memref_slice %arg13[%dma_start3A_30, %dma_start3A_31] : memref<10112x128xf32, #tpu.memory_space<vmem_shared>> -> memref<16x128xf32, #tpu.memory_space<vmem_shared>>
          tpu.enqueue_dma source(%dma_start3A_32 : memref<16x128xf32, #tpu.memory_space<vmem_shared>>) target(%dma_start3A_29 : memref<16x128xf32, #tpu.memory_space<hbm>>) target_semaphore(%run_scoped3A : memref<!tpu.dma_semaphore, #tpu.memory_space<semaphore_mem>>)
          %dma_wait3A = arith.constant 9984 : i32
          %dma_wait3A_33 = arith.constant 0 : i32
          %dma_wait3A_34 = tpu.memref_slice %arg8[%dma_wait3A, %dma_wait3A_33] : memref<10000x128xf32, #tpu.memory_space<hbm>> -> memref<16x128xf32, #tpu.memory_space<hbm>>
          %dma_wait3A_35 = arith.constant 9984 : i32
          %dma_wait3A_36 = arith.constant 0 : i32
          %dma_wait3A_37 = tpu.memref_slice %arg13[%dma_wait3A_35, %dma_wait3A_36] : memref<10112x128xf32, #tpu.memory_space<vmem_shared>> -> memref<16x128xf32, #tpu.memory_space<vmem_shared>>
          tpu.wait_dma2 semaphore(%run_scoped3A : memref<!tpu.dma_semaphore, #tpu.memory_space<semaphore_mem>>) src(%dma_wait3A_37 : memref<16x128xf32, #tpu.memory_space<vmem_shared>>) dst(%dma_wait3A_34 : memref<16x128xf32, #tpu.memory_space<hbm>>)
          tpu.yield
        }) : () -> ()
      } else {
      }
    } else {
    }
    return
  }
}

module attributes {stable_mosaic.version = 14 : i64} {
  func.func @_tc1_body(%arg0: i32, %arg1: memref<1000x128xf32, #tpu.memory_space<vmem>>, %arg2: memref<1000x128xf32, #tpu.memory_space<vmem>>, %arg3: memref<1000x128xf32, #tpu.memory_space<vmem>>, %arg4: memref<1000x128xf32, #tpu.memory_space<vmem>>, %arg5: memref<128x512xf32, #tpu.memory_space<vmem>>, %arg6: memref<128x512xf32, #tpu.memory_space<vmem>>, %arg7: memref<1x512xf32, #tpu.memory_space<vmem>>, %arg8: memref<1x1xf32, #tpu.memory_space<vmem>>, %arg9: memref<1000x512xf32, #tpu.memory_space<vmem>>, %arg10: memref<1x512xf32, #tpu.memory_space<vmem>>, %arg11: memref<1x512xf32, #tpu.memory_space<vmem>>) attributes {dimension_semantics = [#tpu.dimension_semantics<arbitrary>], iteration_bounds = array<i64: 10>, scalar_prefetch = 0 : i64, scratch_operands = 0 : i64, tpu.core_type = #tpu.core_type<tc>, window_params = [{transform_indices = @transform_0, window_bounds = array<i64: 1000, 128>}, {transform_indices = @transform_1, window_bounds = array<i64: 1000, 128>}, {transform_indices = @transform_2, window_bounds = array<i64: 1000, 128>}, {transform_indices = @transform_3, window_bounds = array<i64: 1000, 128>}, {pipeline_mode = #tpu.pipeline_mode<synchronous>, transform_indices = @transform_4, window_bounds = array<i64: 128, 512>}, {pipeline_mode = #tpu.pipeline_mode<synchronous>, transform_indices = @transform_5, window_bounds = array<i64: 128, 512>}, {pipeline_mode = #tpu.pipeline_mode<synchronous>, transform_indices = @transform_6, window_bounds = array<i64: 1, 512>}, {pipeline_mode = #tpu.pipeline_mode<synchronous>, transform_indices = @transform_7, window_bounds = array<i64: 1, 1>}, {transform_indices = @transform_8, window_bounds = array<i64: 1000, 512>}, {pipeline_mode = #tpu.pipeline_mode<synchronous>, transform_indices = @transform_9, window_bounds = array<i64: 1, 512>}, {pipeline_mode = #tpu.pipeline_mode<synchronous>, transform_indices = @transform_10, window_bounds = array<i64: 1, 512>}]} {
    %get3A = arith.constant 0 : index
    %get3A_0 = arith.constant 0 : index
    %get3A_1 = vector.load %arg8[%get3A, %get3A_0] : memref<1x1xf32, #tpu.memory_space<vmem>>, vector<1x1xf32>
    %get3A_2 = vector.extract %get3A_1[0, 0] : f32 from vector<1x1xf32>
    %add3A = arith.constant 1.000000e+00 : f32
    %add3A_3 = arith.addf %add3A, %get3A_2 : f32
    %get3A_4 = arith.constant 0 : index
    %get3A_5 = arith.constant 0 : index
    %get3A_6 = vector.load %arg1[%get3A_4, %get3A_5] : memref<1000x128xf32, #tpu.memory_space<vmem>>, vector<1000x128xf32>
    %get3A_7 = arith.constant 0 : index
    %get3A_8 = arith.constant 0 : index
    %get3A_9 = vector.load %arg3[%get3A_7, %get3A_8] : memref<1000x128xf32, #tpu.memory_space<vmem>>, vector<1000x128xf32>
    %mul3A = vector.broadcast %add3A_3 : f32 to vector<1000x128xf32>
    %mul3A_10 = arith.mulf %mul3A, %get3A_9 : vector<1000x128xf32>
    %add3A_11 = arith.addf %get3A_6, %mul3A_10 : vector<1000x128xf32>
    %get3A_12 = arith.constant 0 : index
    %get3A_13 = arith.constant 0 : index
    %get3A_14 = vector.load %arg2[%get3A_12, %get3A_13] : memref<1000x128xf32, #tpu.memory_space<vmem>>, vector<1000x128xf32>
    %get3A_15 = arith.constant 0 : index
    %get3A_16 = arith.constant 0 : index
    %get3A_17 = vector.load %arg4[%get3A_15, %get3A_16] : memref<1000x128xf32, #tpu.memory_space<vmem>>, vector<1000x128xf32>
    %mul3A_18 = vector.broadcast %add3A_3 : f32 to vector<1000x128xf32>
    %mul3A_19 = arith.mulf %mul3A_18, %get3A_17 : vector<1000x128xf32>
    %add3A_20 = arith.addf %get3A_14, %mul3A_19 : vector<1000x128xf32>
    %get3A_21 = arith.constant 0 : index
    %get3A_22 = arith.constant 0 : index
    %get3A_23 = vector.load %arg5[%get3A_21, %get3A_22] : memref<128x512xf32, #tpu.memory_space<vmem>>, vector<128x512xf32>
    %dot_general3A = arith.constant dense<0.000000e+00> : vector<1000x512xf32>
    %dot_general3A_24 = tpu.matmul %add3A_11, %get3A_23, %dot_general3A {dimension_numbers = #tpu.dot_dimension_numbers<[1], [0], [0], [1], [0, 0, 1, 1], [], []>, transpose_lhs_hint = false} : vector<1000x128xf32>, vector<128x512xf32>, vector<1000x512xf32> -> vector<1000x512xf32>
    %get3A_25 = arith.constant 0 : index
    %get3A_26 = arith.constant 0 : index
    %get3A_27 = vector.load %arg6[%get3A_25, %get3A_26] : memref<128x512xf32, #tpu.memory_space<vmem>>, vector<128x512xf32>
    %dot_general3A_28 = arith.constant dense<0.000000e+00> : vector<1000x512xf32>
    %dot_general3A_29 = tpu.matmul %add3A_20, %get3A_27, %dot_general3A_28 {dimension_numbers = #tpu.dot_dimension_numbers<[1], [0], [0], [1], [0, 0, 1, 1], [], []>, transpose_lhs_hint = false} : vector<1000x128xf32>, vector<128x512xf32>, vector<1000x512xf32> -> vector<1000x512xf32>
    %add3A_30 = arith.addf %dot_general3A_24, %dot_general3A_29 : vector<1000x512xf32>
    %get3A_31 = arith.constant 0 : index
    %get3A_32 = arith.constant 0 : index
    %get3A_33 = vector.load %arg7[%get3A_31, %get3A_32] : memref<1x512xf32, #tpu.memory_space<vmem>>, vector<1x512xf32>
    %add3A_34 = vector.broadcast %get3A_33 : vector<1x512xf32> to vector<1000x512xf32>
    %add3A_35 = arith.addf %add3A_30, %add3A_34 : vector<1000x512xf32>
    %swap3A = arith.constant 0 : index
    %swap3A_36 = arith.constant 0 : index
    %swap3A_37 = vector.load %arg9[%swap3A, %swap3A_36] : memref<1000x512xf32, #tpu.memory_space<vmem>>, vector<1000x512xf32>
    tpu.vector_store %arg9[%swap3A, %swap3A_36], %add3A_35 {strides = array<i32>} : memref<1000x512xf32, #tpu.memory_space<vmem>>, vector<1000x512xf32>,
    %eq3A = arith.constant 0 : i32
    %eq3A_38 = arith.cmpi eq, %arg0, %eq3A : i32
    %convert_element_type3A = arith.extui %eq3A_38 : i1 to i32
    %cond3A = arith.constant 0 : i32
    %cond3A_39 = arith.cmpi ne, %convert_element_type3A, %cond3A : i32
    scf.if %cond3A_39 {
      %broadcast_in_dim3A_59 = arith.constant 0.000000e+00 : f32
      %broadcast_in_dim3A_60 = vector.broadcast %broadcast_in_dim3A_59 : f32 to vector<1x512xf32>
      %swap3A_61 = arith.constant 0 : index
      %swap3A_62 = arith.constant 0 : index
      %swap3A_63 = vector.load %arg10[%swap3A_61, %swap3A_62] : memref<1x512xf32, #tpu.memory_space<vmem>>, vector<1x512xf32>
      tpu.vector_store %arg10[%swap3A_61, %swap3A_62], %broadcast_in_dim3A_60 {strides = array<i32>} : memref<1x512xf32, #tpu.memory_space<vmem>>, vector<1x512xf32>,
      %broadcast_in_dim3A_64 = arith.constant 0.000000e+00 : f32
      %broadcast_in_dim3A_65 = vector.broadcast %broadcast_in_dim3A_64 : f32 to vector<1x512xf32>
      %swap3A_66 = arith.constant 0 : index
      %swap3A_67 = arith.constant 0 : index
      %swap3A_68 = vector.load %arg11[%swap3A_66, %swap3A_67] : memref<1x512xf32, #tpu.memory_space<vmem>>, vector<1x512xf32>
      tpu.vector_store %arg11[%swap3A_66, %swap3A_67], %broadcast_in_dim3A_65 {strides = array<i32>} : memref<1x512xf32, #tpu.memory_space<vmem>>, vector<1x512xf32>,
    } else {
    }
    %get3A_40 = arith.constant 0 : index
    %get3A_41 = arith.constant 0 : index
    %get3A_42 = vector.load %arg10[%get3A_40, %get3A_41] : memref<1x512xf32, #tpu.memory_space<vmem>>, vector<1x512xf32>
    %reduce_sum3A = arith.constant dense<0.000000e+00> : vector<512xf32>
    %reduce_sum3A_43 = vector.multi_reduction <add>, %add3A_35, %reduce_sum3A [0] : vector<1000x512xf32> to vector<512xf32>
    %broadcast_in_dim3A = vector.shape_cast %reduce_sum3A_43 : vector<512xf32> to vector<1x512xf32>
    %add3A_44 = arith.addf %get3A_42, %broadcast_in_dim3A : vector<1x512xf32>
    %swap3A_45 = arith.constant 0 : index
    %swap3A_46 = arith.constant 0 : index
    %swap3A_47 = vector.load %arg10[%swap3A_45, %swap3A_46] : memref<1x512xf32, #tpu.memory_space<vmem>>, vector<1x512xf32>
    tpu.vector_store %arg10[%swap3A_45, %swap3A_46], %add3A_44 {strides = array<i32>} : memref<1x512xf32, #tpu.memory_space<vmem>>, vector<1x512xf32>,
    %get3A_48 = arith.constant 0 : index
    %get3A_49 = arith.constant 0 : index
    %get3A_50 = vector.load %arg11[%get3A_48, %get3A_49] : memref<1x512xf32, #tpu.memory_space<vmem>>, vector<1x512xf32>
    %mul3A_51 = arith.mulf %add3A_35, %add3A_35 : vector<1000x512xf32>
    %reduce_sum3A_52 = arith.constant dense<0.000000e+00> : vector<512xf32>
    %reduce_sum3A_53 = vector.multi_reduction <add>, %mul3A_51, %reduce_sum3A_52 [0] : vector<1000x512xf32> to vector<512xf32>
    %broadcast_in_dim3A_54 = vector.shape_cast %reduce_sum3A_53 : vector<512xf32> to vector<1x512xf32>
    %add3A_55 = arith.addf %get3A_50, %broadcast_in_dim3A_54 : vector<1x512xf32>
    %swap3A_56 = arith.constant 0 : index
    %swap3A_57 = arith.constant 0 : index
    %swap3A_58 = vector.load %arg11[%swap3A_56, %swap3A_57] : memref<1x512xf32, #tpu.memory_space<vmem>>, vector<1x512xf32>
    tpu.vector_store %arg11[%swap3A_56, %swap3A_57], %add3A_55 {strides = array<i32>} : memref<1x512xf32, #tpu.memory_space<vmem>>, vector<1x512xf32>,
    return
  }
  func.func @transform_0(%arg0: i32) -> (i32, i32) {
    %c0_i32 = arith.constant 0 : i32
    %c0_i32_0 = arith.constant 0 : i32
    return %arg0, %c0_i32 : i32, i32
  }
  func.func @transform_1(%arg0: i32) -> (i32, i32) {
    %c0_i32 = arith.constant 0 : i32
    %c0_i32_0 = arith.constant 0 : i32
    return %arg0, %c0_i32 : i32, i32
  }
  func.func @transform_2(%arg0: i32) -> (i32, i32) {
    %c0_i32 = arith.constant 0 : i32
    %c0_i32_0 = arith.constant 0 : i32
    return %arg0, %c0_i32 : i32, i32
  }
  func.func @transform_3(%arg0: i32) -> (i32, i32) {
    %c0_i32 = arith.constant 0 : i32
    %c0_i32_0 = arith.constant 0 : i32
    return %arg0, %c0_i32 : i32, i32
  }
  func.func @transform_4(%arg0: i32) -> (i32, i32) {
    %c0_i32 = arith.constant 0 : i32
    %c0_i32_0 = arith.constant 0 : i32
    %c0_i32_1 = arith.constant 0 : i32
    return %c0_i32, %c0_i32_0 : i32, i32
  }
  func.func @transform_5(%arg0: i32) -> (i32, i32) {
    %c0_i32 = arith.constant 0 : i32
    %c0_i32_0 = arith.constant 0 : i32
    %c0_i32_1 = arith.constant 0 : i32
    return %c0_i32, %c0_i32_0 : i32, i32
  }
  func.func @transform_6(%arg0: i32) -> (i32, i32) {
    %c0_i32 = arith.constant 0 : i32
    %c0_i32_0 = arith.constant 0 : i32
    %c0_i32_1 = arith.constant 0 : i32
    return %c0_i32, %c0_i32_0 : i32, i32
  }
  func.func @transform_7(%arg0: i32) -> (i32, i32) {
    %c0_i32 = arith.constant 0 : i32
    %c0_i32_0 = arith.constant 0 : i32
    %c0_i32_1 = arith.constant 0 : i32
    return %c0_i32, %c0_i32_0 : i32, i32
  }
  func.func @transform_8(%arg0: i32) -> (i32, i32) {
    %c0_i32 = arith.constant 0 : i32
    %c0_i32_0 = arith.constant 0 : i32
    return %arg0, %c0_i32 : i32, i32
  }
  func.func @transform_9(%arg0: i32) -> (i32, i32) {
    %c0_i32 = arith.constant 0 : i32
    %c0_i32_0 = arith.constant 0 : i32
    %c0_i32_1 = arith.constant 0 : i32
    return %c0_i32, %c0_i32_0 : i32, i32
  }
  func.func @transform_10(%arg0: i32) -> (i32, i32) {
    %c0_i32 = arith.constant 0 : i32
    %c0_i32_0 = arith.constant 0 : i32
    %c0_i32_1 = arith.constant 0 : i32
    return %c0_i32, %c0_i32_0 : i32, i32
  }
}

module attributes {stable_mosaic.version = 14 : i64} {
  func.func @_tc2_body(%arg0: i32, %arg1: memref<1000x512xf32, #tpu.memory_space<vmem>>, %arg2: memref<1x512xf32, #tpu.memory_space<vmem>>, %arg3: memref<1x512xf32, #tpu.memory_space<vmem>>, %arg4: memref<1x512xf32, #tpu.memory_space<vmem>>, %arg5: memref<1x512xf32, #tpu.memory_space<vmem>>, %arg6: memref<512x512xf32, #tpu.memory_space<vmem>>, %arg7: memref<1x512xf32, #tpu.memory_space<vmem>>, %arg8: memref<1000x512xf32, #tpu.memory_space<vmem>>, %arg9: memref<1x512xf32, #tpu.memory_space<vmem>>, %arg10: memref<1x512xf32, #tpu.memory_space<vmem>>) attributes {dimension_semantics = [#tpu.dimension_semantics<arbitrary>], iteration_bounds = array<i64: 10>, scalar_prefetch = 0 : i64, scratch_operands = 0 : i64, tpu.core_type = #tpu.core_type<tc>, window_params = [{transform_indices = @transform_0, window_bounds = array<i64: 1000, 512>}, {pipeline_mode = #tpu.pipeline_mode<synchronous>, transform_indices = @transform_1, window_bounds = array<i64: 1, 512>}, {pipeline_mode = #tpu.pipeline_mode<synchronous>, transform_indices = @transform_2, window_bounds = array<i64: 1, 512>}, {pipeline_mode = #tpu.pipeline_mode<synchronous>, transform_indices = @transform_3, window_bounds = array<i64: 1, 512>}, {pipeline_mode = #tpu.pipeline_mode<synchronous>, transform_indices = @transform_4, window_bounds = array<i64: 1, 512>}, {pipeline_mode = #tpu.pipeline_mode<synchronous>, transform_indices = @transform_5, window_bounds = array<i64: 512, 512>}, {pipeline_mode = #tpu.pipeline_mode<synchronous>, transform_indices = @transform_6, window_bounds = array<i64: 1, 512>}, {transform_indices = @transform_7, window_bounds = array<i64: 1000, 512>}, {pipeline_mode = #tpu.pipeline_mode<synchronous>, transform_indices = @transform_8, window_bounds = array<i64: 1, 512>}, {pipeline_mode = #tpu.pipeline_mode<synchronous>, transform_indices = @transform_9, window_bounds = array<i64: 1, 512>}]} {
    %get3A = arith.constant 0 : index
    %get3A_0 = arith.constant 0 : index
    %get3A_1 = vector.load %arg2[%get3A, %get3A_0] : memref<1x512xf32, #tpu.memory_space<vmem>>, vector<1x512xf32>
    %mul3A = arith.constant 9.99999974E-5 : f32
    %mul3A_2 = vector.broadcast %mul3A : f32 to vector<1x512xf32>
    %mul3A_3 = arith.mulf %get3A_1, %mul3A_2 : vector<1x512xf32>
    %get3A_4 = arith.constant 0 : index
    %get3A_5 = arith.constant 0 : index
    %get3A_6 = vector.load %arg3[%get3A_4, %get3A_5] : memref<1x512xf32, #tpu.memory_space<vmem>>, vector<1x512xf32>
    %mul3A_7 = arith.constant 9.99999974E-5 : f32
    %mul3A_8 = vector.broadcast %mul3A_7 : f32 to vector<1x512xf32>
    %mul3A_9 = arith.mulf %get3A_6, %mul3A_8 : vector<1x512xf32>
    %mul3A_10 = arith.mulf %mul3A_3, %mul3A_3 : vector<1x512xf32>
    %sub3A = arith.subf %mul3A_9, %mul3A_10 : vector<1x512xf32>
    %add3A = arith.constant 9.99999974E-6 : f32
    %add3A_11 = vector.broadcast %add3A : f32 to vector<1x512xf32>
    %add3A_12 = arith.addf %sub3A, %add3A_11 : vector<1x512xf32>
    %rsqrt3A = math.rsqrt %add3A_12 : vector<1x512xf32>
    %get3A_13 = arith.constant 0 : index
    %get3A_14 = arith.constant 0 : index
    %get3A_15 = vector.load %arg4[%get3A_13, %get3A_14] : memref<1x512xf32, #tpu.memory_space<vmem>>, vector<1x512xf32>
    %mul3A_16 = arith.mulf %rsqrt3A, %get3A_15 : vector<1x512xf32>
    %get3A_17 = arith.constant 0 : index
    %get3A_18 = arith.constant 0 : index
    %get3A_19 = vector.load %arg1[%get3A_17, %get3A_18] : memref<1000x512xf32, #tpu.memory_space<vmem>>, vector<1000x512xf32>
    %sub3A_20 = vector.broadcast %mul3A_3 : vector<1x512xf32> to vector<1000x512xf32>
    %sub3A_21 = arith.subf %get3A_19, %sub3A_20 : vector<1000x512xf32>
    %mul3A_22 = vector.broadcast %mul3A_16 : vector<1x512xf32> to vector<1000x512xf32>
    %mul3A_23 = arith.mulf %sub3A_21, %mul3A_22 : vector<1000x512xf32>
    %get3A_24 = arith.constant 0 : index
    %get3A_25 = arith.constant 0 : index
    %get3A_26 = vector.load %arg5[%get3A_24, %get3A_25] : memref<1x512xf32, #tpu.memory_space<vmem>>, vector<1x512xf32>
    %add3A_27 = vector.broadcast %get3A_26 : vector<1x512xf32> to vector<1000x512xf32>
    %add3A_28 = arith.addf %mul3A_23, %add3A_27 : vector<1000x512xf32>
    %max3A = arith.constant 0.000000e+00 : f32
    %max3A_29 = vector.broadcast %max3A : f32 to vector<1000x512xf32>
    %max3A_30 = arith.maximumf %add3A_28, %max3A_29 : vector<1000x512xf32>
    %get3A_31 = arith.constant 0 : index
    %get3A_32 = arith.constant 0 : index
    %get3A_33 = vector.load %arg6[%get3A_31, %get3A_32] : memref<512x512xf32, #tpu.memory_space<vmem>>, vector<512x512xf32>
    %dot_general3A = arith.constant dense<0.000000e+00> : vector<1000x512xf32>
    %dot_general3A_34 = tpu.matmul %max3A_30, %get3A_33, %dot_general3A {dimension_numbers = #tpu.dot_dimension_numbers<[1], [0], [0], [1], [0, 0, 1, 1], [], []>, transpose_lhs_hint = false} : vector<1000x512xf32>, vector<512x512xf32>, vector<1000x512xf32> -> vector<1000x512xf32>
    %get3A_35 = arith.constant 0 : index
    %get3A_36 = arith.constant 0 : index
    %get3A_37 = vector.load %arg7[%get3A_35, %get3A_36] : memref<1x512xf32, #tpu.memory_space<vmem>>, vector<1x512xf32>
    %add3A_38 = vector.broadcast %get3A_37 : vector<1x512xf32> to vector<1000x512xf32>
    %add3A_39 = arith.addf %dot_general3A_34, %add3A_38 : vector<1000x512xf32>
    %swap3A = arith.constant 0 : index
    %swap3A_40 = arith.constant 0 : index
    %swap3A_41 = vector.load %arg8[%swap3A, %swap3A_40] : memref<1000x512xf32, #tpu.memory_space<vmem>>, vector<1000x512xf32>
    tpu.vector_store %arg8[%swap3A, %swap3A_40], %add3A_39 {strides = array<i32>} : memref<1000x512xf32, #tpu.memory_space<vmem>>, vector<1000x512xf32>,
    %eq3A = arith.constant 0 : i32
    %eq3A_42 = arith.cmpi eq, %arg0, %eq3A : i32
    %convert_element_type3A = arith.extui %eq3A_42 : i1 to i32
    %cond3A = arith.constant 0 : i32
    %cond3A_43 = arith.cmpi ne, %convert_element_type3A, %cond3A : i32
    scf.if %cond3A_43 {
      %broadcast_in_dim3A_63 = arith.constant 0.000000e+00 : f32
      %broadcast_in_dim3A_64 = vector.broadcast %broadcast_in_dim3A_63 : f32 to vector<1x512xf32>
      %swap3A_65 = arith.constant 0 : index
      %swap3A_66 = arith.constant 0 : index
      %swap3A_67 = vector.load %arg9[%swap3A_65, %swap3A_66] : memref<1x512xf32, #tpu.memory_space<vmem>>, vector<1x512xf32>
      tpu.vector_store %arg9[%swap3A_65, %swap3A_66], %broadcast_in_dim3A_64 {strides = array<i32>} : memref<1x512xf32, #tpu.memory_space<vmem>>, vector<1x512xf32>,
      %broadcast_in_dim3A_68 = arith.constant 0.000000e+00 : f32
      %broadcast_in_dim3A_69 = vector.broadcast %broadcast_in_dim3A_68 : f32 to vector<1x512xf32>
      %swap3A_70 = arith.constant 0 : index
      %swap3A_71 = arith.constant 0 : index
      %swap3A_72 = vector.load %arg10[%swap3A_70, %swap3A_71] : memref<1x512xf32, #tpu.memory_space<vmem>>, vector<1x512xf32>
      tpu.vector_store %arg10[%swap3A_70, %swap3A_71], %broadcast_in_dim3A_69 {strides = array<i32>} : memref<1x512xf32, #tpu.memory_space<vmem>>, vector<1x512xf32>,
    } else {
    }
    %get3A_44 = arith.constant 0 : index
    %get3A_45 = arith.constant 0 : index
    %get3A_46 = vector.load %arg9[%get3A_44, %get3A_45] : memref<1x512xf32, #tpu.memory_space<vmem>>, vector<1x512xf32>
    %reduce_sum3A = arith.constant dense<0.000000e+00> : vector<512xf32>
    %reduce_sum3A_47 = vector.multi_reduction <add>, %add3A_39, %reduce_sum3A [0] : vector<1000x512xf32> to vector<512xf32>
    %broadcast_in_dim3A = vector.shape_cast %reduce_sum3A_47 : vector<512xf32> to vector<1x512xf32>
    %add3A_48 = arith.addf %get3A_46, %broadcast_in_dim3A : vector<1x512xf32>
    %swap3A_49 = arith.constant 0 : index
    %swap3A_50 = arith.constant 0 : index
    %swap3A_51 = vector.load %arg9[%swap3A_49, %swap3A_50] : memref<1x512xf32, #tpu.memory_space<vmem>>, vector<1x512xf32>
    tpu.vector_store %arg9[%swap3A_49, %swap3A_50], %add3A_48 {strides = array<i32>} : memref<1x512xf32, #tpu.memory_space<vmem>>, vector<1x512xf32>,
    %get3A_52 = arith.constant 0 : index
    %get3A_53 = arith.constant 0 : index
    %get3A_54 = vector.load %arg10[%get3A_52, %get3A_53] : memref<1x512xf32, #tpu.memory_space<vmem>>, vector<1x512xf32>
    %mul3A_55 = arith.mulf %add3A_39, %add3A_39 : vector<1000x512xf32>
    %reduce_sum3A_56 = arith.constant dense<0.000000e+00> : vector<512xf32>
    %reduce_sum3A_57 = vector.multi_reduction <add>, %mul3A_55, %reduce_sum3A_56 [0] : vector<1000x512xf32> to vector<512xf32>
    %broadcast_in_dim3A_58 = vector.shape_cast %reduce_sum3A_57 : vector<512xf32> to vector<1x512xf32>
    %add3A_59 = arith.addf %get3A_54, %broadcast_in_dim3A_58 : vector<1x512xf32>
    %swap3A_60 = arith.constant 0 : index
    %swap3A_61 = arith.constant 0 : index
    %swap3A_62 = vector.load %arg10[%swap3A_60, %swap3A_61] : memref<1x512xf32, #tpu.memory_space<vmem>>, vector<1x512xf32>
    tpu.vector_store %arg10[%swap3A_60, %swap3A_61], %add3A_59 {strides = array<i32>} : memref<1x512xf32, #tpu.memory_space<vmem>>, vector<1x512xf32>,
    return
  }
  func.func @transform_0(%arg0: i32) -> (i32, i32) {
    %c0_i32 = arith.constant 0 : i32
    %c0_i32_0 = arith.constant 0 : i32
    return %arg0, %c0_i32 : i32, i32
  }
  func.func @transform_1(%arg0: i32) -> (i32, i32) {
    %c0_i32 = arith.constant 0 : i32
    %c0_i32_0 = arith.constant 0 : i32
    %c0_i32_1 = arith.constant 0 : i32
    return %c0_i32, %c0_i32_0 : i32, i32
  }
  func.func @transform_2(%arg0: i32) -> (i32, i32) {
    %c0_i32 = arith.constant 0 : i32
    %c0_i32_0 = arith.constant 0 : i32
    %c0_i32_1 = arith.constant 0 : i32
    return %c0_i32, %c0_i32_0 : i32, i32
  }
  func.func @transform_3(%arg0: i32) -> (i32, i32) {
    %c0_i32 = arith.constant 0 : i32
    %c0_i32_0 = arith.constant 0 : i32
    %c0_i32_1 = arith.constant 0 : i32
    return %c0_i32, %c0_i32_0 : i32, i32
  }
  func.func @transform_4(%arg0: i32) -> (i32, i32) {
    %c0_i32 = arith.constant 0 : i32
    %c0_i32_0 = arith.constant 0 : i32
    %c0_i32_1 = arith.constant 0 : i32
    return %c0_i32, %c0_i32_0 : i32, i32
  }
  func.func @transform_5(%arg0: i32) -> (i32, i32) {
    %c0_i32 = arith.constant 0 : i32
    %c0_i32_0 = arith.constant 0 : i32
    %c0_i32_1 = arith.constant 0 : i32
    return %c0_i32, %c0_i32_0 : i32, i32
  }
  func.func @transform_6(%arg0: i32) -> (i32, i32) {
    %c0_i32 = arith.constant 0 : i32
    %c0_i32_0 = arith.constant 0 : i32
    %c0_i32_1 = arith.constant 0 : i32
    return %c0_i32, %c0_i32_0 : i32, i32
  }
  func.func @transform_7(%arg0: i32) -> (i32, i32) {
    %c0_i32 = arith.constant 0 : i32
    %c0_i32_0 = arith.constant 0 : i32
    return %arg0, %c0_i32 : i32, i32
  }
  func.func @transform_8(%arg0: i32) -> (i32, i32) {
    %c0_i32 = arith.constant 0 : i32
    %c0_i32_0 = arith.constant 0 : i32
    %c0_i32_1 = arith.constant 0 : i32
    return %c0_i32, %c0_i32_0 : i32, i32
  }
  func.func @transform_9(%arg0: i32) -> (i32, i32) {
    %c0_i32 = arith.constant 0 : i32
    %c0_i32_0 = arith.constant 0 : i32
    %c0_i32_1 = arith.constant 0 : i32
    return %c0_i32, %c0_i32_0 : i32, i32
  }
}

module attributes {stable_mosaic.version = 14 : i64} {
  func.func @_tc3_body(%arg0: i32, %arg1: memref<1000x512xf32, #tpu.memory_space<vmem>>, %arg2: memref<1x512xf32, #tpu.memory_space<vmem>>, %arg3: memref<1x512xf32, #tpu.memory_space<vmem>>, %arg4: memref<1x512xf32, #tpu.memory_space<vmem>>, %arg5: memref<1x512xf32, #tpu.memory_space<vmem>>, %arg6: memref<1000x512xf32, #tpu.memory_space<vmem>>) attributes {dimension_semantics = [#tpu.dimension_semantics<arbitrary>], iteration_bounds = array<i64: 10>, scalar_prefetch = 0 : i64, scratch_operands = 0 : i64, tpu.core_type = #tpu.core_type<tc>, window_params = [{transform_indices = @transform_0, window_bounds = array<i64: 1000, 512>}, {pipeline_mode = #tpu.pipeline_mode<synchronous>, transform_indices = @transform_1, window_bounds = array<i64: 1, 512>}, {pipeline_mode = #tpu.pipeline_mode<synchronous>, transform_indices = @transform_2, window_bounds = array<i64: 1, 512>}, {pipeline_mode = #tpu.pipeline_mode<synchronous>, transform_indices = @transform_3, window_bounds = array<i64: 1, 512>}, {pipeline_mode = #tpu.pipeline_mode<synchronous>, transform_indices = @transform_4, window_bounds = array<i64: 1, 512>}, {transform_indices = @transform_5, window_bounds = array<i64: 1000, 512>}]} {
    %get3A = arith.constant 0 : index
    %get3A_0 = arith.constant 0 : index
    %get3A_1 = vector.load %arg2[%get3A, %get3A_0] : memref<1x512xf32, #tpu.memory_space<vmem>>, vector<1x512xf32>
    %mul3A = arith.constant 9.99999974E-5 : f32
    %mul3A_2 = vector.broadcast %mul3A : f32 to vector<1x512xf32>
    %mul3A_3 = arith.mulf %get3A_1, %mul3A_2 : vector<1x512xf32>
    %get3A_4 = arith.constant 0 : index
    %get3A_5 = arith.constant 0 : index
    %get3A_6 = vector.load %arg3[%get3A_4, %get3A_5] : memref<1x512xf32, #tpu.memory_space<vmem>>, vector<1x512xf32>
    %mul3A_7 = arith.constant 9.99999974E-5 : f32
    %mul3A_8 = vector.broadcast %mul3A_7 : f32 to vector<1x512xf32>
    %mul3A_9 = arith.mulf %get3A_6, %mul3A_8 : vector<1x512xf32>
    %mul3A_10 = arith.mulf %mul3A_3, %mul3A_3 : vector<1x512xf32>
    %sub3A = arith.subf %mul3A_9, %mul3A_10 : vector<1x512xf32>
    %add3A = arith.constant 9.99999974E-6 : f32
    %add3A_11 = vector.broadcast %add3A : f32 to vector<1x512xf32>
    %add3A_12 = arith.addf %sub3A, %add3A_11 : vector<1x512xf32>
    %rsqrt3A = math.rsqrt %add3A_12 : vector<1x512xf32>
    %get3A_13 = arith.constant 0 : index
    %get3A_14 = arith.constant 0 : index
    %get3A_15 = vector.load %arg4[%get3A_13, %get3A_14] : memref<1x512xf32, #tpu.memory_space<vmem>>, vector<1x512xf32>
    %mul3A_16 = arith.mulf %rsqrt3A, %get3A_15 : vector<1x512xf32>
    %get3A_17 = arith.constant 0 : index
    %get3A_18 = arith.constant 0 : index
    %get3A_19 = vector.load %arg1[%get3A_17, %get3A_18] : memref<1000x512xf32, #tpu.memory_space<vmem>>, vector<1000x512xf32>
    %sub3A_20 = vector.broadcast %mul3A_3 : vector<1x512xf32> to vector<1000x512xf32>
    %sub3A_21 = arith.subf %get3A_19, %sub3A_20 : vector<1000x512xf32>
    %mul3A_22 = vector.broadcast %mul3A_16 : vector<1x512xf32> to vector<1000x512xf32>
    %mul3A_23 = arith.mulf %sub3A_21, %mul3A_22 : vector<1000x512xf32>
    %get3A_24 = arith.constant 0 : index
    %get3A_25 = arith.constant 0 : index
    %get3A_26 = vector.load %arg5[%get3A_24, %get3A_25] : memref<1x512xf32, #tpu.memory_space<vmem>>, vector<1x512xf32>
    %add3A_27 = vector.broadcast %get3A_26 : vector<1x512xf32> to vector<1000x512xf32>
    %add3A_28 = arith.addf %mul3A_23, %add3A_27 : vector<1000x512xf32>
    %max3A = arith.constant 0.000000e+00 : f32
    %max3A_29 = vector.broadcast %max3A : f32 to vector<1000x512xf32>
    %max3A_30 = arith.maximumf %add3A_28, %max3A_29 : vector<1000x512xf32>
    %swap3A = arith.constant 0 : index
    %swap3A_31 = arith.constant 0 : index
    %swap3A_32 = vector.load %arg6[%swap3A, %swap3A_31] : memref<1000x512xf32, #tpu.memory_space<vmem>>, vector<1000x512xf32>
    tpu.vector_store %arg6[%swap3A, %swap3A_31], %max3A_30 {strides = array<i32>} : memref<1000x512xf32, #tpu.memory_space<vmem>>, vector<1000x512xf32>,
    return
  }
  func.func @transform_0(%arg0: i32) -> (i32, i32) {
    %c0_i32 = arith.constant 0 : i32
    %c0_i32_0 = arith.constant 0 : i32
    return %arg0, %c0_i32 : i32, i32
  }
  func.func @transform_1(%arg0: i32) -> (i32, i32) {
    %c0_i32 = arith.constant 0 : i32
    %c0_i32_0 = arith.constant 0 : i32
    %c0_i32_1 = arith.constant 0 : i32
    return %c0_i32, %c0_i32_0 : i32, i32
  }
  func.func @transform_2(%arg0: i32) -> (i32, i32) {
    %c0_i32 = arith.constant 0 : i32
    %c0_i32_0 = arith.constant 0 : i32
    %c0_i32_1 = arith.constant 0 : i32
    return %c0_i32, %c0_i32_0 : i32, i32
  }
  func.func @transform_3(%arg0: i32) -> (i32, i32) {
    %c0_i32 = arith.constant 0 : i32
    %c0_i32_0 = arith.constant 0 : i32
    %c0_i32_1 = arith.constant 0 : i32
    return %c0_i32, %c0_i32_0 : i32, i32
  }
  func.func @transform_4(%arg0: i32) -> (i32, i32) {
    %c0_i32 = arith.constant 0 : i32
    %c0_i32_0 = arith.constant 0 : i32
    %c0_i32_1 = arith.constant 0 : i32
    return %c0_i32, %c0_i32_0 : i32, i32
  }
  func.func @transform_5(%arg0: i32) -> (i32, i32) {
    %c0_i32 = arith.constant 0 : i32
    %c0_i32_0 = arith.constant 0 : i32
    return %arg0, %c0_i32 : i32, i32
  }
}

</mosaic_0001>

<sc_bundles>
// kernel: kernel.6.cloned.1.call-start
scs
__scs_entry_jumppad:
0x0: {  	(pc) =	sbr.rel $0x88, $3  }
0x1: {  	(tag) =	ssettag $0x0;
	lr =	simm.s32 $0x1  }
0x2: {  	[smem:$0x3F96] =	sst lr;
	_ =	strace $0xD0000000  }
0x3: {  	_ = 	snop  }
0x4: {  	_ = 	snop  }
0x5: {  	_ = 	snop  }
0x6: {  	_ = 	snop  }
0x7: {  	_ = 	snop  }
__scs_overlays_trampoline_lowered:
0x8: {  	[smem:$0x3FA5] =	sst s0  }
0x9: {  	[smem:$0x3FA6] =	sst s1  }
0xa: {  	[smem:$0x3FA7] =	sst s2  }
0xb: {  	[smem:$0x3FA8] =	sst s3  }
0xc: {  	[smem:$0x3FA9] =	sst s4  }
0xd: {  	[smem:$0x3FAA] =	sst s5  }
0xe: {  	[smem:$0x3FAB] =	sst s6  }
0xf: {  	[smem:$0x3FAC] =	sst s7  }
0x10: {  	[smem:$0x3FAD] =	sst s8  }
0x11: {  	[smem:$0x3FAE] =	sst s9;
	s0 =	simm.s32 @!p0 $0x0  }
0x12: {  	s1 =	sld [smem:$0x3F94];
	s0 =	simm.s32 @p0 $0x1  }
0x13: {  	[smem:$0x3FAF] =	sst s0;
	s0 =	simm.s32 @!p1 $0x0  }
0x14: {  	s2 =	sld [smem:$0x3F93];
	s0 =	simm.s32 @p1 $0x1  }
0x15: {  	[smem:$0x3FB0] =	sst s0;
	s0 =	simm.s32 @!p2 $0x0  }
0x16: {  	s3 =	sld [smem:$0x3FDB];
	s0 =	simm.s32 @p2 $0x1  }
0x17: {  	s4 =	simm.s32 $0x1BF5;
	[smem:$0x3FB2] =	sst s0  }
0x18: {  	s0 =	sld [smem:$0x3F95];
	_ =	swait.ge [sflag:s4], $0x0  }
0x19: {  	s7 =	sld [smem:$0x3F96]  }
0x1a: {  	s8 =	sadd.s32 $0xFFFFE003, lr  }
0x1b: {  	s9 =	sadd.s32 $0xFFFFFEF7, lr;
	s5 =	simm.s32 $0xFFFFFFFF;
	p2 =	slt.u32 s8, $0xFFFFF086  }
0x1c: {  	p1 =	slt.u32 s9, $0xF7A;
	s5 =	simm.s32 @!p2 $0x0  }
0x1d: {  	s5 =	simm.s32 @p1 $0x1;
	p0 =	seq.s32 s7, s2  }
0x1e: {  	s7 =	smul.u32 @!p0 $0xF7A, s2;
	p2 =	seq.s32 @!p0 s5, $0x0  }
0x1f: {  	s9 =	smul.u32 $0xF7A, s1;
	s8 =	simm.s32 @!p0 $0x1BF5;
	p2 =	por !p2, p0  }
0x20: {  	[sflag:s8] =	ssyncset.s32 @!p0 $0xFFFFF086;
	s6 =	sadd.s32 @!p0 s3, s7;
	s7 =	simm.s32 @!p0 $0x108  }
0x21: {  	s3 =	sadd.s32 s3, s9;
	s6 =	sadd.s32 @!p0 $0x88, s6;
	s7 =	simm.s32 @p2 $0x1082  }
0x22: {  	[simem:s7], [sflag:s8] =	dma.local @!p0 [hbm:s6], $0xF7A  }
0x23: {  	s9 =	sor.u32 $0xD0000000, s2;
	s6 =	simm.s32 $0x108;
	_ =	swait.ge @!p0 [sflag:s8], $0x0  }
0x24: {  	s3 =	sadd.s32 $0x88, s3;
	s6 =	simm.s32 @!p1 $0x1082;
	[sflag:s4] =	ssyncset.s32 $0xFFFFF086  }
0x25: {  	[simem:s6], [sflag:s4] =	dma.local [hbm:s3], $0xF7A  }
0x26: {  	[smem:$0x3F96] =	sst s1;
	(tag) =	ssettag s2;
	_ =	strace s9  }
0x27: {  	s1 =	sld [smem:$0x3FA6]  }
0x28: {  	s2 =	sld [smem:$0x3FA7]  }
0x29: {  	s4 =	sld [smem:$0x3FA9]  }
0x2a: {  	p0 =	seq.s32 s5, $0x0;
	s5 =	sld [smem:$0x3FAA]  }
0x2b: {  	s6 =	sld [smem:$0x3FAB]  }
0x2c: {  	s7 =	sld [smem:$0x3FAC]  }
0x2d: {  	s3 =	simm.s32 $0x108;
	s8 =	sld [smem:$0x3FAD]  }
0x2e: {  	s3 =	simm.s32 @!p0 $0x1082;
	s9 =	sld [smem:$0x3FAE]  }
0x2f: {  	lr =	sadd.s32 s0, s3;
	s0 =	sld [smem:$0x3FA5]  }
0x30: {  	s3 =	sld [smem:$0x3FA8]  }
0x31: {  	[smem:$0x3FB1] =	sst s10  }
0x32: {  	s10 =	sld [smem:$0x3FAF];
	_ =	sdelay $0x3  }
0x33: {  	p0 =	seq.s32 s10, $0x1;
	s10 =	sld [smem:$0x3FB1];
	_ =	sdelay $0x3  }
0x34: {  	[smem:$0x3FB1] =	sst s10  }
0x35: {  	s10 =	sld [smem:$0x3FB0];
	_ =	sdelay $0x3  }
0x36: {  	p1 =	seq.s32 s10, $0x1;
	s10 =	sld [smem:$0x3FB1];
	_ =	sdelay $0x3  }
0x37: {  	[smem:$0x3FB1] =	sst s10  }
0x38: {  	s10 =	sld [smem:$0x3FB2]  }
0x39: {  	_ = 	snop;
	(pc) =	sbr.ind lr, $3  }
0x3a: {  	_ = 	snop  }
0x3b: {  	_ = 	snop  }
0x3c: {  	p2 =	seq.s32 s10, $0x1;
	s10 =	sld [smem:$0x3FB1]  }
0x3d: {  	_ =	shalt  }
0x3e: {  	_ =	shalt  }
0x3f: {  	_ =	shalt  }
0x40: {  	_ =	shalt  }
0x41: {  	_ =	shalt  }
0x42: {  	_ =	shalt  }
0x43: {  	_ =	shalt  }
0x44: {  	_ =	shalt  }
0x45: {  	_ =	shalt  }
0x46: {  	_ =	shalt  }
0x47: {  	_ =	shalt  }
0x48: {  	_ =	shalt  }
0x49: {  	_ =	shalt  }
0x4a: {  	_ =	shalt  }
0x4b: {  	_ =	shalt  }
0x4c: {  	_ =	shalt  }
0x4d: {  	_ =	shalt  }
0x4e: {  	_ =	shalt  }
0x4f: {  	_ =	shalt  }
0x50: {  	_ =	shalt  }
0x51: {  	_ =	shalt  }
0x52: {  	_ =	shalt  }
0x53: {  	_ =	shalt  }
0x54: {  	_ =	shalt  }
0x55: {  	_ =	shalt  }
0x56: {  	_ =	shalt  }
0x57: {  	_ =	shalt  }
0x58: {  	_ =	shalt  }
0x59: {  	_ =	shalt  }
0x5a: {  	_ =	shalt  }
0x5b: {  	_ =	shalt  }
0x5c: {  	_ =	shalt  }
0x5d: {  	_ =	shalt  }
0x5e: {  	_ =	shalt  }
0x5f: {  	_ =	shalt  }
0x60: {  	_ =	shalt  }
0x61: {  	_ =	shalt  }
0x62: {  	_ =	shalt  }
0x63: {  	_ =	shalt  }
0x64: {  	_ =	shalt  }
0x65: {  	_ =	shalt  }
0x66: {  	_ =	shalt  }
0x67: {  	_ =	shalt  }
0x68: {  	_ =	shalt  }
0x69: {  	_ =	shalt  }
0x6a: {  	_ =	shalt  }
0x6b: {  	_ =	shalt  }
0x6c: {  	_ =	shalt  }
0x6d: {  	_ =	shalt  }
0x6e: {  	_ =	shalt  }
0x6f: {  	_ =	shalt  }
0x70: {  	_ =	shalt  }
0x71: {  	_ =	shalt  }
0x72: {  	_ =	shalt  }
0x73: {  	_ =	shalt  }
0x74: {  	_ =	shalt  }
0x75: {  	_ =	shalt  }
0x76: {  	_ =	shalt  }
0x77: {  	_ =	shalt  }
0x78: {  	_ =	shalt  }
0x79: {  	_ =	shalt  }
0x7a: {  	_ =	shalt  }
0x7b: {  	_ =	shalt  }
0x7c: {  	_ =	shalt  }
0x7d: {  	_ =	shalt  }
0x7e: {  	_ =	shalt  }
0x7f: {  	_ =	shalt  }
0x80: {  	_ =	shalt  }
0x81: {  	_ =	shalt  }
0x82: {  	_ =	shalt  }
0x83: {  	_ =	shalt  }
0x84: {  	_ =	shalt  }
0x85: {  	_ =	shalt  }
0x86: {  	_ =	shalt  }
0x87: {  	_ =	shalt  }
.Lfunc_end0:
.L_simem_size_0:
called_computation_lowered:
.L_overlay_start_0:
0x88: {  	s2 =	sld [smem:$0x3FD9]  }
0x89: {  	s3 =	sld [smem:$0x3FFE];
	_ =	sdelay $0x1  }
0x8a: {  	s1 =	srdreg.scid  }
0x8b: {  	s0 =	sand.u32 $0x1, s1  }
0x8c: {  	s17 =	sshll.u32 s0, $0xA;
	s2 =	sadd.s32 s3, s2  }
0x8d: {  	s2 =	sadd.s32 s2, s17  }
0x8e: {  	[smem:$0x3FBD] =	sst s2  }
0x8f: {  	_ = 	snop  }
0x90: {  	s2 =	sld [smem:$0x3FD0];
	(tm) =	ssettm $0x1  }
0x91: {  	s18 =	sld [smem:$0x3FFB];
	_ =	sdelay $0x3  }
0x92: {  	_ =	strace s18  }
0x93: {  	s3 =	sld [smem:$0x3FFC];
	_ =	sdelay $0x3  }
0x94: {  	_ =	strace s3  }
0x95: {  	s3 =	sld [smem:$0x3FFD];
	_ =	sdelay $0x3  }
0x96: {  	_ =	strace s3  }
0x97: {  	_ =	strace $0x8FFFFFFF  }
0x98: {  	s19 =	sld [smem:$0x3FDB];
	_ =	sdelay $0x1  }
0x99: {  	s4 =	simm.s32 $_scs_section_size  }
0x9a: {  	s5 =	simm.s32 $_size__tile_overlayer_lowered;
	s6 =	simm.s32 $_tile_overlayer_lowered  }
0x9b: {  	s22 =	simm.s32 $0x1BFF;
	s21 =	sshll.u32 s6, $0x1;
	s3 =	sadd.s32 s4, s19  }
0x9c: {  	s7 =	simm.s32 $0x0;
	s20 =	sshll.u32 s5, $0x1;
	s5 =	sadd.s32 s21, s3  }
0x9d: {  	[timem:s7], [sflag:s22] =	dma.local [hbm:s5], s20  }
0x9e: {  	_ =	swait.ge [sflag:s22], s20  }
0x9f: {  	s4 =	ssub.s32 $0x0, s20;
	[sflag:s22] =	ssyncset.done $0x0  }
0xa0: {  	[sflag:s22] =	ssyncadd.s32 s4;
	_ =	sdelay $0x1  }
0xa1: {  	s23 =	simm.s32 $0x1B8B  }
0xa2: {  	_ =	swait.ge [sflag:s23], $0x1  }
0xa3: {  	[sflag:s23] =	ssyncset.done $0x0  }
0xa4: {  	s25 =	simm.s32 $0x1B8E;
	s24 =	sld [smem:$0x3FFE];
	[sflag:s23] =	ssyncadd.s32 $0xFFFFFFFF  }
0xa5: {  	s26 =	simm.s32 $execute0_lowered;
	[smem:$0x3FD2] =	sst s25  }
0xa6: {  	s5 =	sshll.u32 s26, $0x1;
	_ =	strace $0x80000046;
	[dreg:$0x1] =	wrdreg $0xFFFFFFFF  }
0xa7: {  	s28 =	simm.s32 $_size_execute0_lowered;
	s3 =	sadd.s32 s3, s5;
	[dreg:$0x0] =	wrdreg $0x0  }
0xa8: {  	s5 =	sshll.u32 s28, $0x1;
	[dreg:$0x2] =	wrdreg s3  }
0xa9: {  	[dreg:$0x3] =	wrdreg s5  }
0xaa: {  	[dreg:$0x4] =	wrdreg $0xC0  }
0xab: {  	_ =	task [dreg:s7], $0x5FFFF  }
0xac: {  	[dreg:$0x1] =	wrdreg $0xFFFFFFFF  }
0xad: {  	[dreg:$0x0] =	wrdreg $0x60  }
0xae: {  	[dreg:$0x2] =	wrdreg s24  }
0xaf: {  	[dreg:$0x3] =	wrdreg s2  }
0xb0: {  	[dreg:$0x4] =	wrdreg $0xA8000  }
0xb1: {  	[dreg:$0x5] =	wrdreg $0x9  }
0xb2: {  	_ =	task.clear_ibuf [dreg:s7], $0x6FFFF;
	_ =	strace $0x90000046  }
0xb3: {  	s29 =	simm.s32 $0x9;
	_ =	strace $0x80000048  }
0xb4: {  	_ =	swait.ge [sflag:s29], $0x1  }
0xb5: {  	[sflag:s29] =	ssyncadd.s32 $0xFFFFFFFF  }
0xb6: {  	_ =	strace $0x90000048  }
0xb7: {  	_ =	sfence  }
0xb8: {  	s30 =	sld [smem:$0x0];
	_ =	sdelay $0x2  }
0xb9: {  	s31 =	sshll.u32 s1, $0xD;
	s1 =	sshrl.u32 s1, $0x2  }
0xba: {  	s3 =	sand.u32 $0x4000, s31;
	s1 =	sadd.s32 s1, s30  }
0xbb: {  	s0 =	sor.u32 s3, s0;
	s1 =	sshll.u32 s1, $0x11  }
0xbc: {  	s0 =	sor.u32 s1, s0  }
0xbd: {  	s0 =	sadd.s32 $0x8F2B, s0  }
0xbe: {  	[sflag:s0] =	ssyncadd.remote.s32 $0x1  }
0xbf: {  	_ =	sfence.sel $0xFFFF  }
0xc0: {  	[dreg:$0x0] =	wrdreg $0xFFFFFFFF;
	(pc) =	sbr.abs _section_cstart, $3  }
0xc1: {  	[dreg:$0x1] =	wrdreg $0xFFFFFFFF  }
0xc2: {  	_ =	task.clear_ibuf [dreg:s7], $0x2FFFF;
	_ =	strace $0x9FFFFFFF  }
0xc3: {  	(tm) =	ssettm $0x7FFFFFFF  }
tec
execute0_lowered:
.L_overlay_start_1:
0x0: {  	(tag) =	ssettag $0x1  }
0x1: {  	s7 =	rddreg [dreg:$0x0]  }
0x2: {  	s1 =	rddreg [dreg:$0x1]  }
0x3: {  	s2 =	rddreg [dreg:$0x2]  }
0x4: {  	s3 =	simm.s32 $0x0;
	s6 =	srdreg.scid;
	s24 =	stileid.u32  }
0x5: {  	s19 =	simm.s32 $0x1400;
	s20 =	simm.s32 $0x80;
	s21 =	simm.s32 $0x2800  }
0x6: {  	s22 =	simm.s32 $0x6800;
	s23 =	simm.s32 $0x1;
	s28 =	simm.s32 $0x2780  }
0x7: {  	s29 =	simm.s32 $0x0;
	[smem:$0x7FF] =	sst s3;
	s4 =	sadd.s32 $0x3000, s7  }
0x8: {  	s11 =	sadd.s32 $0x2F200, s7;
	s12 =	sadd.s32 $0x2A200, s7;
	s8 =	smul.u32 $0x4F000, s24  }
0x9: {  	s5 =	sadd.s32 $0x34200, s7;
	s17 =	sand.u32 $0x1, s6;
	s13 =	smul.u32 $0x2800, s24  }
0xa: {  	s6 =	sadd.s32 $0x36A00, s7;
	s7 =	sadd.s32 $0x5DC00, s7;
	s31 =	smul.u32 $0x4E000, s24  }
0xb: {  	s26 =	sshll.u32 s24, $0x6;
	s15 =	smul.u32 $0x2700, s24;
	s25 =	sadd.s32 $0x138000, s2  }
0xc: {  	p2 =	seq.s32 s24, $0x0;
	p1 =	sne.s32 s24, $0x0;
	s24 =	simm.s32 $0x2  }
0xd: {  	_ =	strace $0x80000047;
	s9 =	ssub.s32 $0x2, s17;
	p0 =	sne.s32 s17, $0x0  }
0xe: {  	s25 =	sshrl.u32 s25, $0x3;
	s10 =	sshrl.u32 s9, $0x1;
	s8 =	sshrl.u32 s8, $0x2  }
0xf: {  	s30 =	sshrl.u32 s13, $0x3;
	s13 =	sshrl.u32 s31, $0x2;
	s16 =	ssub.s32 s9, s10  }
.Ltmp0:
0x10: {  	s18 =	sadd.s32 s8, s2;
	s8 =	sor.u32 $0x1C03, s26;
	(pc) =	sbr.rel .LBB2_1-.Ltmp0, $4  }
0x11: {  	s9 =	sadd.s32 s11, s30;
	s14 =	sadd.s32 $0x280, s30;
	s10 =	sadd.s32 s12, s30  }
0x12: {  	s13 =	sadd.s32 s13, s2;
	s26 =	simm.s32 $0x2700;
	s11 =	sadd.s32 s11, s14  }
0x13: {  	s12 =	sadd.s32 s12, s14;
	s14 =	sadd.s32 s7, s15;
	s15 =	sadd.s32 s6, s15  }
0x14: {  	s16 =	smax.u32 s16, $0x1;
	s17 =	sshrl.u32 s18, $0x3;
	s18 =	simm.s32 $0x3  }
.LBB2_12:
0x15: {  	s0 =	sadd.s32 $0x27000, s30  }
0x16: {  	[hbm:s0], [sflag:s8] =	dma.local [spmem:s25], $0x100  }
0x17: {  	_ =	swait.ge [sflag:s18], $0x100  }
0x18: {  	[sflag:s18] =	ssyncset.done $0x0  }
0x19: {  	[sflag:s18] =	ssyncadd.s32 $0xFFFFFF00  }
.LBB2_13:
0x1a: {  	s29 =	sadd.s32 $0x1, s29  }
0x1b: {  	p3 =	sne.s32 s29, s16  }
.Ltmp1:
0x1c: {  	_ = 	snop;
	(pc) =	sbr.rel @!p3 .LBB2_14-.Ltmp1, $1  }
0x1d: {  	_ =	sdelay $0x3  }
.LBB2_1:
0x1e: {  	[spmem:s17], [sflag:s8] =	dma.local [hbm:s5], $0x2780  }
0x1f: {  	_ =	swait.ge [sflag:s18], $0x2780  }
0x20: {  	[sflag:s18] =	ssyncset.done $0x0  }
0x21: {  	[sflag:s18] =	ssyncadd.s32 $0xFFFFD880  }
0x22: {  	[bflag:$0x0] =	sbarrier.arrive $0xFFFF  }
0x23: {  	[tilespmem:s3], [sflag:$0x3] =	stream.linear.gather [hbm4b:s9+s3], $0x1400, $0x38;
	[tilespmem:$0x1E400] =	vst v63  }
0x24: {  	_ =	swait.ge [sflag:s18], $0x1400  }
0x25: {  	[sflag:s18] =	ssyncset.done $0x0  }
.Ltmp2:
0x26: {  	[sflag:s18] =	ssyncadd.s32 $0xFFFFEC00;
	(pc) =	sbr.rel @p0 .LBB2_7-.Ltmp2, $4  }
0x27: {  	[tilespmem:s19], [sflag:$0x3] =	stream.linear.gather [hbm4b:s10+s3], $0x1400, $0x38;
	[tilespmem:$0x1E400] =	vst v63  }
0x28: {  	_ =	swait.ge [sflag:s18], $0x1400  }
0x29: {  	[sflag:s18] =	ssyncset.done $0x0  }
0x2a: {  	[sflag:s18] =	ssyncadd.s32 $0xFFFFEC00  }
0x2b: {  	s30 =	simm.s32 $0x0  }
0x2c: {  	[tilespmem:s21], [sflag:$0x1] =	stream.indirect.gather [hbm4b:s4+s20], $0x80, s30, s20, $0xb8;
	[tilespmem:$0x1E400] =	vst v63  }
0x2d: {  	_ = 	snop  }
0x2e: {  	[tilespmem:s22], [sflag:$0x2] =	stream.indirect.gather [hbm4b:s4+s20], $0x80, s20, s20, $0xb8;
	[tilespmem:$0x1E400] =	vst v63  }
0x2f: {  	_ =	swait.ge [sflag:s23], $0x4000  }
0x30: {  	[sflag:s23] =	ssyncset.done $0x0  }
0x31: {  	s30 =	simm.s32 $0x1400;
	[sflag:s23] =	ssyncadd.s32 $0xFFFFC000  }
0x32: {  	[spmem:s2] =	stream.indirect.scatter.add.f32 [tilespmem:s21], [sflag:$0x3], $0x80, s30, s20, $0xb8;
	[tilespmem:$0x1E400] =	vst v63  }
0x33: {  	_ =	swait.ge [sflag:s18], $0x4000  }
0x34: {  	[sflag:s18] =	ssyncset.done $0x0  }
0x35: {  	s30 =	simm.s32 $0x100;
	[sflag:s18] =	ssyncadd.s32 $0xFFFFC000  }
0x36: {  	[tilespmem:s21], [sflag:$0x1] =	stream.indirect.gather [hbm4b:s4+s20], $0x80, s30, s20, $0xb8;
	[tilespmem:$0x1E400] =	vst v63  }
0x37: {  	_ =	swait.ge [sflag:s24], $0x4000  }
0x38: {  	[sflag:s24] =	ssyncset.done $0x0  }
0x39: {  	s30 =	simm.s32 $0x1480;
	[sflag:s24] =	ssyncadd.s32 $0xFFFFC000  }
0x3a: {  	[spmem:s2] =	stream.indirect.scatter.add.f32 [tilespmem:s22], [sflag:$0x3], $0x80, s30, s20, $0xb8;
	[tilespmem:$0x1E400] =	vst v63  }
0x3b: {  	_ =	swait.ge [sflag:s18], $0x4000  }
0x3c: {  	[sflag:s18] =	ssyncset.done $0x0  }
0x3d: {  	s31 =	simm.s32 $0x180;
	s30 =	simm.s32 $0x400;
	[sflag:s18] =	ssyncadd.s32 $0xFFFFC000  }
.LBB2_3:
0x3e: {  	[tilespmem:s22], [sflag:$0x2] =	stream.indirect.gather [hbm4b:s4+s20], $0x80, s31, s20, $0xb8;
	[tilespmem:$0x1E400] =	vst v63  }
0x3f: {  	s31 =	smov.u32 s30  }
0x40: {  	p3 =	sne.s32 s30, $0x4800;
	s30 =	sadd.s32 $0x400, s30;
	_ =	swait.ge [sflag:s23], $0x4000  }
0x41: {  	s31 =	sshra.s32 s31, $0x2;
	[sflag:s23] =	ssyncset.done $0x0  }
0x42: {  	s0 =	sadd.s32 $0x1400, s31;
	[sflag:s23] =	ssyncadd.s32 $0xFFFFC000  }
0x43: {  	[spmem:s2] =	stream.indirect.scatter.add.f32 [tilespmem:s21], [sflag:$0x3], $0x80, s0, s20, $0xb8;
	[tilespmem:$0x1E400] =	vst v63  }
0x44: {  	_ =	swait.ge [sflag:s18], $0x4000  }
0x45: {  	[sflag:s18] =	ssyncset.done $0x0  }
0x46: {  	s0 =	sadd.s32 $0x100, s31;
	[sflag:s18] =	ssyncadd.s32 $0xFFFFC000  }
0x47: {  	[tilespmem:s21], [sflag:$0x1] =	stream.indirect.gather [hbm4b:s4+s20], $0x80, s0, s20, $0xb8;
	[tilespmem:$0x1E400] =	vst v63  }
0x48: {  	_ =	swait.ge [sflag:s24], $0x4000  }
0x49: {  	[sflag:s24] =	ssyncset.done $0x0  }
.Ltmp3:
0x4a: {  	s0 =	sadd.s32 $0x1480, s31;
	[sflag:s24] =	ssyncadd.s32 $0xFFFFC000;
	(pc) =	sbr.rel @p3 .LBB2_3-.Ltmp3, $4  }
0x4b: {  	[spmem:s2] =	stream.indirect.scatter.add.f32 [tilespmem:s22], [sflag:$0x3], $0x80, s0, s20, $0xb8;
	[tilespmem:$0x1E400] =	vst v63  }
0x4c: {  	_ =	swait.ge [sflag:s18], $0x4000  }
0x4d: {  	[sflag:s18] =	ssyncset.done $0x0  }
0x4e: {  	s31 =	sadd.s32 $0x180, s31;
	[sflag:s18] =	ssyncadd.s32 $0xFFFFC000  }
0x4f: {  	[tilespmem:s22], [sflag:$0x2] =	stream.indirect.gather [hbm4b:s4+s20], $0x80, s31, s20, $0xb8;
	[tilespmem:$0x1E400] =	vst v63  }
0x50: {  	_ =	swait.ge [sflag:s23], $0x4000  }
0x51: {  	[sflag:s23] =	ssyncset.done $0x0  }
0x52: {  	[sflag:s23] =	ssyncadd.s32 $0xFFFFC000  }
0x53: {  	[spmem:s2] =	stream.indirect.scatter.add.f32 [tilespmem:s21], [sflag:$0x3], $0x80, s26, s20, $0xb8;
	[tilespmem:$0x1E400] =	vst v63  }
0x54: {  	_ =	swait.ge [sflag:s18], $0x4000  }
0x55: {  	[sflag:s18] =	ssyncset.done $0x0  }
0x56: {  	[sflag:s18] =	ssyncadd.s32 $0xFFFFC000  }
0x57: {  	_ =	swait.ge [sflag:s24], $0x4000  }
0x58: {  	[sflag:s24] =	ssyncset.done $0x0  }
0x59: {  	[sflag:s24] =	ssyncadd.s32 $0xFFFFC000  }
0x5a: {  	[spmem:s2] =	stream.indirect.scatter.add.f32 [tilespmem:s22], [sflag:$0x3], $0x80, s28, s20, $0xb8;
	[tilespmem:$0x1E400] =	vst v63  }
0x5b: {  	_ =	swait.ge [sflag:s18], $0x4000  }
0x5c: {  	[sflag:s18] =	ssyncset.done $0x0  }
0x5d: {  	s0 =	simm.s32 $0x0;
	[sflag:s18] =	ssyncadd.s32 $0xFFFFC000  }
0x5e: {  	[tilespmem:s0], [sflag:$0x3] =	stream.linear.gather [hbm4b:s11+s0], $0x1400, $0x38;
	[tilespmem:$0x1E400] =	vst v63  }
0x5f: {  	_ =	swait.ge [sflag:s18], $0x1400  }
0x60: {  	[sflag:s18] =	ssyncset.done $0x0  }
0x61: {  	[sflag:s18] =	ssyncadd.s32 $0xFFFFEC00  }
0x62: {  	[tilespmem:s19], [sflag:$0x3] =	stream.linear.gather [hbm4b:s12+s0], $0x1400, $0x38;
	[tilespmem:$0x1E400] =	vst v63  }
0x63: {  	_ =	swait.ge [sflag:s18], $0x1400  }
0x64: {  	[sflag:s18] =	ssyncset.done $0x0  }
0x65: {  	[sflag:s18] =	ssyncadd.s32 $0xFFFFEC00  }
0x66: {  	[tilespmem:s21], [sflag:$0x1] =	stream.indirect.gather [hbm4b:s4+s20], $0x80, s0, s20, $0xb8;
	[tilespmem:$0x1E400] =	vst v63  }
0x67: {  	_ = 	snop  }
0x68: {  	[tilespmem:s22], [sflag:$0x2] =	stream.indirect.gather [hbm4b:s4+s20], $0x80, s20, s20, $0xb8;
	[tilespmem:$0x1E400] =	vst v63  }
0x69: {  	_ =	swait.ge [sflag:s23], $0x4000  }
0x6a: {  	[sflag:s23] =	ssyncset.done $0x0  }
0x6b: {  	s0 =	simm.s32 $0x1400;
	[sflag:s23] =	ssyncadd.s32 $0xFFFFC000  }
0x6c: {  	[spmem:s2] =	stream.indirect.scatter.add.f32 [tilespmem:s21], [sflag:$0x3], $0x80, s0, s20, $0xb8;
	[tilespmem:$0x1E400] =	vst v63  }
0x6d: {  	_ =	swait.ge [sflag:s18], $0x4000  }
0x6e: {  	[sflag:s18] =	ssyncset.done $0x0  }
0x6f: {  	s0 =	simm.s32 $0x100;
	[sflag:s18] =	ssyncadd.s32 $0xFFFFC000  }
0x70: {  	[tilespmem:s21], [sflag:$0x1] =	stream.indirect.gather [hbm4b:s4+s20], $0x80, s0, s20, $0xb8;
	[tilespmem:$0x1E400] =	vst v63  }
0x71: {  	_ =	swait.ge [sflag:s24], $0x4000  }
0x72: {  	[sflag:s24] =	ssyncset.done $0x0  }
0x73: {  	s0 =	simm.s32 $0x1480;
	[sflag:s24] =	ssyncadd.s32 $0xFFFFC000  }
0x74: {  	[spmem:s2] =	stream.indirect.scatter.add.f32 [tilespmem:s22], [sflag:$0x3], $0x80, s0, s20, $0xb8;
	[tilespmem:$0x1E400] =	vst v63  }
0x75: {  	_ =	swait.ge [sflag:s18], $0x4000  }
0x76: {  	[sflag:s18] =	ssyncset.done $0x0  }
0x77: {  	s30 =	simm.s32 $0x400;
	s31 =	simm.s32 $0x180;
	[sflag:s18] =	ssyncadd.s32 $0xFFFFC000  }
.LBB2_5:
0x78: {  	[tilespmem:s22], [sflag:$0x2] =	stream.indirect.gather [hbm4b:s4+s20], $0x80, s31, s20, $0xb8;
	[tilespmem:$0x1E400] =	vst v63  }
0x79: {  	s0 =	smov.u32 s30  }
0x7a: {  	p3 =	sne.s32 s30, $0x4800;
	s30 =	sadd.s32 $0x400, s30;
	_ =	swait.ge [sflag:s23], $0x4000  }
0x7b: {  	s0 =	sshra.s32 s0, $0x2;
	[sflag:s23] =	ssyncset.done $0x0  }
0x7c: {  	s31 =	sadd.s32 $0x1400, s0;
	[sflag:s23] =	ssyncadd.s32 $0xFFFFC000  }
0x7d: {  	[spmem:s2] =	stream.indirect.scatter.add.f32 [tilespmem:s21], [sflag:$0x3], $0x80, s31, s20, $0xb8;
	[tilespmem:$0x1E400] =	vst v63  }
0x7e: {  	_ =	swait.ge [sflag:s18], $0x4000  }
0x7f: {  	[sflag:s18] =	ssyncset.done $0x0  }
0x80: {  	s31 =	sadd.s32 $0x100, s0;
	[sflag:s18] =	ssyncadd.s32 $0xFFFFC000  }
0x81: {  	[tilespmem:s21], [sflag:$0x1] =	stream.indirect.gather [hbm4b:s4+s20], $0x80, s31, s20, $0xb8;
	[tilespmem:$0x1E400] =	vst v63  }
0x82: {  	_ =	swait.ge [sflag:s24], $0x4000  }
0x83: {  	[sflag:s24] =	ssyncset.done $0x0  }
.Ltmp4:
0x84: {  	s31 =	sadd.s32 $0x1480, s0;
	[sflag:s24] =	ssyncadd.s32 $0xFFFFC000;
	(pc) =	sbr.rel @p3 .LBB2_5-.Ltmp4, $4  }
0x85: {  	[spmem:s2] =	stream.indirect.scatter.add.f32 [tilespmem:s22], [sflag:$0x3], $0x80, s31, s20, $0xb8;
	[tilespmem:$0x1E400] =	vst v63  }
0x86: {  	_ =	swait.ge [sflag:s18], $0x4000  }
0x87: {  	[sflag:s18] =	ssyncset.done $0x0  }
0x88: {  	s31 =	sadd.s32 $0x180, s0;
	[sflag:s18] =	ssyncadd.s32 $0xFFFFC000  }
0x89: {  	[tilespmem:s22], [sflag:$0x2] =	stream.indirect.gather [hbm4b:s4+s20], $0x80, s31, s20, $0xb8;
	[tilespmem:$0x1E400] =	vst v63  }
0x8a: {  	_ =	swait.ge [sflag:s23], $0x4000  }
0x8b: {  	[sflag:s23] =	ssyncset.done $0x0  }
0x8c: {  	[sflag:s23] =	ssyncadd.s32 $0xFFFFC000  }
0x8d: {  	[spmem:s2] =	stream.indirect.scatter.add.f32 [tilespmem:s21], [sflag:$0x3], $0x80, s26, s20, $0xb8;
	[tilespmem:$0x1E400] =	vst v63  }
0x8e: {  	_ =	swait.ge [sflag:s18], $0x4000  }
0x8f: {  	[sflag:s18] =	ssyncset.done $0x0  }
0x90: {  	[sflag:s18] =	ssyncadd.s32 $0xFFFFC000  }
0x91: {  	_ =	swait.ge [sflag:s24], $0x4000  }
0x92: {  	[sflag:s24] =	ssyncset.done $0x0  }
0x93: {  	[sflag:s24] =	ssyncadd.s32 $0xFFFFC000  }
0x94: {  	[spmem:s2] =	stream.indirect.scatter.add.f32 [tilespmem:s22], [sflag:$0x3], $0x80, s28, s20, $0xb8;
	[tilespmem:$0x1E400] =	vst v63  }
0x95: {  	_ =	swait.ge [sflag:s18], $0x4000  }
0x96: {  	[sflag:s18] =	ssyncset.done $0x0  }
0x97: {  	[sflag:s18] =	ssyncadd.s32 $0xFFFFC000  }
0x98: {  	s0 =	sshrl.u32 s13, $0x3;
	[bflag:$0x0] =	sbarrier.arrive $0xFFFF  }
0x99: {  	[hbm:s15], [sflag:s8] =	dma.local [spmem:s0], $0x2700  }
.Ltmp5:
0x9a: {  	_ = 	snop;
	(pc) =	sbr.rel @!p2 .LBB2_13-.Ltmp5, $4  }
.Ltmp6:
0x9b: {  	_ = 	snop;
	(pc) =	sbr.rel @p2 .LBB2_12-.Ltmp6, $4  }
0x9c: {  	_ =	swait.ge [sflag:s18], $0x2700  }
0x9d: {  	[sflag:s18] =	ssyncset.done $0x0  }
0x9e: {  	s30 =	smov.u32 s6;
	[sflag:s18] =	ssyncadd.s32 $0xFFFFD900  }
0x9f: {  	_ = 	snop  }
.LBB2_7:
0xa0: {  	s0 =	simm.s32 $0x0  }
0xa1: {  	[tilespmem:s21], [sflag:$0x1] =	stream.indirect.gather [hbm4b:s1+s20], $0x80, s0, s20, $0xb8;
	[tilespmem:$0x1E400] =	vst v63  }
0xa2: {  	_ = 	snop  }
0xa3: {  	[tilespmem:s22], [sflag:$0x2] =	stream.indirect.gather [hbm4b:s1+s20], $0x80, s20, s20, $0xb8;
	[tilespmem:$0x1E400] =	vst v63  }
0xa4: {  	_ =	swait.ge [sflag:s23], $0x4000  }
0xa5: {  	[sflag:s23] =	ssyncset.done $0x0  }
0xa6: {  	s0 =	simm.s32 $0x1400;
	[sflag:s23] =	ssyncadd.s32 $0xFFFFC000  }
0xa7: {  	[spmem:s2] =	stream.indirect.scatter.add.f32 [tilespmem:s21], [sflag:$0x3], $0x80, s0, s20, $0xb8;
	[tilespmem:$0x1E400] =	vst v63  }
0xa8: {  	_ =	swait.ge [sflag:s18], $0x4000  }
0xa9: {  	[sflag:s18] =	ssyncset.done $0x0  }
0xaa: {  	s0 =	simm.s32 $0x100;
	[sflag:s18] =	ssyncadd.s32 $0xFFFFC000  }
0xab: {  	[tilespmem:s21], [sflag:$0x1] =	stream.indirect.gather [hbm4b:s1+s20], $0x80, s0, s20, $0xb8;
	[tilespmem:$0x1E400] =	vst v63  }
0xac: {  	_ =	swait.ge [sflag:s24], $0x4000  }
0xad: {  	[sflag:s24] =	ssyncset.done $0x0  }
0xae: {  	s0 =	simm.s32 $0x1480;
	[sflag:s24] =	ssyncadd.s32 $0xFFFFC000  }
0xaf: {  	[spmem:s2] =	stream.indirect.scatter.add.f32 [tilespmem:s22], [sflag:$0x3], $0x80, s0, s20, $0xb8;
	[tilespmem:$0x1E400] =	vst v63  }
0xb0: {  	_ =	swait.ge [sflag:s18], $0x4000  }
0xb1: {  	[sflag:s18] =	ssyncset.done $0x0  }
0xb2: {  	s30 =	simm.s32 $0x400;
	s31 =	simm.s32 $0x180;
	[sflag:s18] =	ssyncadd.s32 $0xFFFFC000  }
.LBB2_8:
0xb3: {  	[tilespmem:s22], [sflag:$0x2] =	stream.indirect.gather [hbm4b:s1+s20], $0x80, s31, s20, $0xb8;
	[tilespmem:$0x1E400] =	vst v63  }
0xb4: {  	s0 =	smov.u32 s30  }
0xb5: {  	p3 =	sne.s32 s30, $0x4800;
	s30 =	sadd.s32 $0x400, s30;
	_ =	swait.ge [sflag:s23], $0x4000  }
0xb6: {  	s0 =	sshra.s32 s0, $0x2;
	[sflag:s23] =	ssyncset.done $0x0  }
0xb7: {  	s31 =	sadd.s32 $0x1400, s0;
	[sflag:s23] =	ssyncadd.s32 $0xFFFFC000  }
0xb8: {  	[spmem:s2] =	stream.indirect.scatter.add.f32 [tilespmem:s21], [sflag:$0x3], $0x80, s31, s20, $0xb8;
	[tilespmem:$0x1E400] =	vst v63  }
0xb9: {  	_ =	swait.ge [sflag:s18], $0x4000  }
0xba: {  	[sflag:s18] =	ssyncset.done $0x0  }
0xbb: {  	s31 =	sadd.s32 $0x100, s0;
	[sflag:s18] =	ssyncadd.s32 $0xFFFFC000  }
0xbc: {  	[tilespmem:s21], [sflag:$0x1] =	stream.indirect.gather [hbm4b:s1+s20], $0x80, s31, s20, $0xb8;
	[tilespmem:$0x1E400] =	vst v63  }
0xbd: {  	_ =	swait.ge [sflag:s24], $0x4000  }
0xbe: {  	[sflag:s24] =	ssyncset.done $0x0  }
.Ltmp7:
0xbf: {  	s31 =	sadd.s32 $0x1480, s0;
	[sflag:s24] =	ssyncadd.s32 $0xFFFFC000;
	(pc) =	sbr.rel @p3 .LBB2_8-.Ltmp7, $4  }
0xc0: {  	[spmem:s2] =	stream.indirect.scatter.add.f32 [tilespmem:s22], [sflag:$0x3], $0x80, s31, s20, $0xb8;
	[tilespmem:$0x1E400] =	vst v63  }
0xc1: {  	_ =	swait.ge [sflag:s18], $0x4000  }
0xc2: {  	[sflag:s18] =	ssyncset.done $0x0  }
0xc3: {  	s31 =	sadd.s32 $0x180, s0;
	[sflag:s18] =	ssyncadd.s32 $0xFFFFC000  }
0xc4: {  	[tilespmem:s22], [sflag:$0x2] =	stream.indirect.gather [hbm4b:s1+s20], $0x80, s31, s20, $0xb8;
	[tilespmem:$0x1E400] =	vst v63  }
0xc5: {  	_ =	swait.ge [sflag:s23], $0x4000  }
0xc6: {  	[sflag:s23] =	ssyncset.done $0x0  }
0xc7: {  	[sflag:s23] =	ssyncadd.s32 $0xFFFFC000  }
0xc8: {  	[spmem:s2] =	stream.indirect.scatter.add.f32 [tilespmem:s21], [sflag:$0x3], $0x80, s26, s20, $0xb8;
	[tilespmem:$0x1E400] =	vst v63  }
0xc9: {  	_ =	swait.ge [sflag:s18], $0x4000  }
0xca: {  	[sflag:s18] =	ssyncset.done $0x0  }
0xcb: {  	[sflag:s18] =	ssyncadd.s32 $0xFFFFC000  }
0xcc: {  	_ =	swait.ge [sflag:s24], $0x4000  }
0xcd: {  	[sflag:s24] =	ssyncset.done $0x0  }
0xce: {  	[sflag:s24] =	ssyncadd.s32 $0xFFFFC000  }
0xcf: {  	[spmem:s2] =	stream.indirect.scatter.add.f32 [tilespmem:s22], [sflag:$0x3], $0x80, s28, s20, $0xb8;
	[tilespmem:$0x1E400] =	vst v63  }
0xd0: {  	_ =	swait.ge [sflag:s18], $0x4000  }
0xd1: {  	[sflag:s18] =	ssyncset.done $0x0  }
0xd2: {  	s0 =	simm.s32 $0x0;
	[sflag:s18] =	ssyncadd.s32 $0xFFFFC000  }
0xd3: {  	[tilespmem:s0], [sflag:$0x3] =	stream.linear.gather [hbm4b:s11+s0], $0x1400, $0x38;
	[tilespmem:$0x1E400] =	vst v63  }
0xd4: {  	_ =	swait.ge [sflag:s18], $0x1400  }
0xd5: {  	[sflag:s18] =	ssyncset.done $0x0  }
0xd6: {  	[sflag:s18] =	ssyncadd.s32 $0xFFFFEC00  }
0xd7: {  	[tilespmem:s19], [sflag:$0x3] =	stream.linear.gather [hbm4b:s12+s0], $0x1400, $0x38;
	[tilespmem:$0x1E400] =	vst v63  }
0xd8: {  	_ =	swait.ge [sflag:s18], $0x1400  }
0xd9: {  	[sflag:s18] =	ssyncset.done $0x0  }
0xda: {  	[sflag:s18] =	ssyncadd.s32 $0xFFFFEC00  }
0xdb: {  	[tilespmem:s21], [sflag:$0x1] =	stream.indirect.gather [hbm4b:s1+s20], $0x80, s0, s20, $0xb8;
	[tilespmem:$0x1E400] =	vst v63  }
0xdc: {  	_ = 	snop  }
0xdd: {  	[tilespmem:s22], [sflag:$0x2] =	stream.indirect.gather [hbm4b:s1+s20], $0x80, s20, s20, $0xb8;
	[tilespmem:$0x1E400] =	vst v63  }
0xde: {  	_ =	swait.ge [sflag:s23], $0x4000  }
0xdf: {  	[sflag:s23] =	ssyncset.done $0x0  }
0xe0: {  	s0 =	simm.s32 $0x1400;
	[sflag:s23] =	ssyncadd.s32 $0xFFFFC000  }
0xe1: {  	[spmem:s2] =	stream.indirect.scatter.add.f32 [tilespmem:s21], [sflag:$0x3], $0x80, s0, s20, $0xb8;
	[tilespmem:$0x1E400] =	vst v63  }
0xe2: {  	_ =	swait.ge [sflag:s18], $0x4000  }
0xe3: {  	[sflag:s18] =	ssyncset.done $0x0  }
0xe4: {  	s0 =	simm.s32 $0x100;
	[sflag:s18] =	ssyncadd.s32 $0xFFFFC000  }
0xe5: {  	[tilespmem:s21], [sflag:$0x1] =	stream.indirect.gather [hbm4b:s1+s20], $0x80, s0, s20, $0xb8;
	[tilespmem:$0x1E400] =	vst v63  }
0xe6: {  	_ =	swait.ge [sflag:s24], $0x4000  }
0xe7: {  	[sflag:s24] =	ssyncset.done $0x0  }
0xe8: {  	s0 =	simm.s32 $0x1480;
	[sflag:s24] =	ssyncadd.s32 $0xFFFFC000  }
0xe9: {  	[spmem:s2] =	stream.indirect.scatter.add.f32 [tilespmem:s22], [sflag:$0x3], $0x80, s0, s20, $0xb8;
	[tilespmem:$0x1E400] =	vst v63  }
0xea: {  	_ =	swait.ge [sflag:s18], $0x4000  }
0xeb: {  	[sflag:s18] =	ssyncset.done $0x0  }
0xec: {  	s30 =	simm.s32 $0x400;
	s31 =	simm.s32 $0x180;
	[sflag:s18] =	ssyncadd.s32 $0xFFFFC000  }
.LBB2_10:
0xed: {  	[tilespmem:s22], [sflag:$0x2] =	stream.indirect.gather [hbm4b:s1+s20], $0x80, s31, s20, $0xb8;
	[tilespmem:$0x1E400] =	vst v63  }
0xee: {  	s0 =	smov.u32 s30  }
0xef: {  	p3 =	sne.s32 s30, $0x4800;
	s30 =	sadd.s32 $0x400, s30;
	_ =	swait.ge [sflag:s23], $0x4000  }
0xf0: {  	s0 =	sshra.s32 s0, $0x2;
	[sflag:s23] =	ssyncset.done $0x0  }
0xf1: {  	s31 =	sadd.s32 $0x1400, s0;
	[sflag:s23] =	ssyncadd.s32 $0xFFFFC000  }
0xf2: {  	[spmem:s2] =	stream.indirect.scatter.add.f32 [tilespmem:s21], [sflag:$0x3], $0x80, s31, s20, $0xb8;
	[tilespmem:$0x1E400] =	vst v63  }
0xf3: {  	_ =	swait.ge [sflag:s18], $0x4000  }
0xf4: {  	[sflag:s18] =	ssyncset.done $0x0  }
0xf5: {  	s31 =	sadd.s32 $0x100, s0;
	[sflag:s18] =	ssyncadd.s32 $0xFFFFC000  }
0xf6: {  	[tilespmem:s21], [sflag:$0x1] =	stream.indirect.gather [hbm4b:s1+s20], $0x80, s31, s20, $0xb8;
	[tilespmem:$0x1E400] =	vst v63  }
0xf7: {  	_ =	swait.ge [sflag:s24], $0x4000  }
0xf8: {  	[sflag:s24] =	ssyncset.done $0x0  }
.Ltmp8:
0xf9: {  	s31 =	sadd.s32 $0x1480, s0;
	[sflag:s24] =	ssyncadd.s32 $0xFFFFC000;
	(pc) =	sbr.rel @p3 .LBB2_10-.Ltmp8, $4  }
0xfa: {  	[spmem:s2] =	stream.indirect.scatter.add.f32 [tilespmem:s22], [sflag:$0x3], $0x80, s31, s20, $0xb8;
	[tilespmem:$0x1E400] =	vst v63  }
0xfb: {  	_ =	swait.ge [sflag:s18], $0x4000  }
0xfc: {  	[sflag:s18] =	ssyncset.done $0x0  }
0xfd: {  	s31 =	sadd.s32 $0x180, s0;
	[sflag:s18] =	ssyncadd.s32 $0xFFFFC000  }
0xfe: {  	[tilespmem:s22], [sflag:$0x2] =	stream.indirect.gather [hbm4b:s1+s20], $0x80, s31, s20, $0xb8;
	[tilespmem:$0x1E400] =	vst v63  }
0xff: {  	_ =	swait.ge [sflag:s23], $0x4000  }
0x100: {  	[sflag:s23] =	ssyncset.done $0x0  }
0x101: {  	[sflag:s23] =	ssyncadd.s32 $0xFFFFC000  }
0x102: {  	[spmem:s2] =	stream.indirect.scatter.add.f32 [tilespmem:s21], [sflag:$0x3], $0x80, s26, s20, $0xb8;
	[tilespmem:$0x1E400] =	vst v63  }
0x103: {  	_ =	swait.ge [sflag:s18], $0x4000  }
0x104: {  	[sflag:s18] =	ssyncset.done $0x0  }
0x105: {  	[sflag:s18] =	ssyncadd.s32 $0xFFFFC000  }
0x106: {  	_ =	swait.ge [sflag:s24], $0x4000  }
0x107: {  	[sflag:s24] =	ssyncset.done $0x0  }
0x108: {  	[sflag:s24] =	ssyncadd.s32 $0xFFFFC000  }
0x109: {  	[spmem:s2] =	stream.indirect.scatter.add.f32 [tilespmem:s22], [sflag:$0x3], $0x80, s28, s20, $0xb8;
	[tilespmem:$0x1E400] =	vst v63  }
0x10a: {  	_ =	swait.ge [sflag:s18], $0x4000  }
0x10b: {  	[sflag:s18] =	ssyncset.done $0x0  }
0x10c: {  	[sflag:s18] =	ssyncadd.s32 $0xFFFFC000  }
0x10d: {  	s0 =	sshrl.u32 s13, $0x3;
	[bflag:$0x0] =	sbarrier.arrive $0xFFFF  }
0x10e: {  	[hbm:s14], [sflag:s8] =	dma.local [spmem:s0], $0x2700  }
.Ltmp9:
0x10f: {  	_ = 	snop;
	(pc) =	sbr.rel @p1 .LBB2_13-.Ltmp9, $4  }
.Ltmp10:
0x110: {  	_ = 	snop;
	(pc) =	sbr.rel @!p1 .LBB2_12-.Ltmp10, $4  }
0x111: {  	_ =	swait.ge [sflag:s18], $0x2700  }
0x112: {  	[sflag:s18] =	ssyncset.done $0x0  }
0x113: {  	s30 =	smov.u32 s7;
	[sflag:s18] =	ssyncadd.s32 $0xFFFFD900  }
0x114: {  	_ = 	snop  }
.LBB2_14:
0x115: {  	_ =	sfence.sel $0x180000  }
0x116: {  	[bflag:$0x0] =	sbarrier.arrive $0xFFFF  }
0x117: {  	_ =	strace $0x90000047  }
0x118: {  	[bflag:$0x2] =	sbarrier.arrive $0xFFFF  }
0x119: {  	s0 =	rddreg [dreg:$0x3]  }
0x11a: {  	s0 =	sadd.s32 @!p1 $0x100000, s0  }
0x11b: {  	[sflag:s0] =	ssyncadd.tile.s32 @!p1 $0x1;
	_ =	shalt  }
.Lfunc_end2:
_tile_overlayer_lowered:
.L_overlay_start_2:
0x11c: {  	(tag) =	ssettag $0x2  }
0x11d: {  	s0 =	rddreg [dreg:$0x0];
	s2 =	stileid.u32  }
0x11e: {  	s1 =	rddreg [dreg:$0x1];
	p0 =	sne.s32 s2, $0x0  }
0x11f: {  	s3 =	rddreg [dreg:$0x2];
	[bflag:$0x3] =	sbarrier.arrive $0xFFFF;
	s2 =	simm.s32 @!p0 $0x1C03  }
0x120: {  	[timem:s3], [sflag:s2] =	dma.local @!p0 [hbm:s0], s1  }
0x121: {  	s0 =	simm.s32 @!p0 $0x3  }
0x122: {  	_ =	swait.ge @!p0 [sflag:s0], s1  }
0x123: {  	s1 =	ssub.s32 @!p0 $0x0, s1;
	[sflag:s0] =	ssyncset.done @!p0 $0x0  }
0x124: {  	[sflag:s0] =	ssyncadd.s32 @!p0 s1  }
0x125: {  	[bflag:$0x3] =	sbarrier.arrive $0xFFFF  }
0x126: {  	_ =	shalt  }

</sc_bundles>
